<compile_context>
chip_gen: v7x
topology: tpu7x:2x2x1
jax: 0.10.2.dev20260603
libtpu: 0.0.44.dev20260713+nightly
codegen_flags: <defaults>
</compile_context>

<pallas_src>
import functools

import jax
import jax.numpy as jnp
from jax import lax
from jax.experimental import pallas as pl
from jax.experimental.pallas import tpu as pltpu
from jax.experimental.pallas import tpu_sc as plsc


def _rowloss_body(D, ew_ref, logits_ref, data_ref, wl_ref, logits_out_ref):
    lg = logits_ref[...]
    logits_out_ref[...] = lg
    diff = lg - data_ref[...]
    row = jnp.sum(diff * diff, axis=1) * (1.0 / D)
    wl_ref[...] = row * ew_ref[...]


def _tc_rowloss(logits, data, element_weight):
    N, D = logits.shape
    ROWS = 4096
    grid = N // ROWS
    body = functools.partial(_rowloss_body, D)
    return pl.pallas_call(
        body,
        grid=(grid,),
        in_specs=[
            pl.BlockSpec((ROWS,), lambda i: (i,)),
            pl.BlockSpec((ROWS, D), lambda i: (i, 0)),
            pl.BlockSpec((ROWS, D), lambda i: (i, 0)),
        ],
        out_specs=[
            pl.BlockSpec((ROWS,), lambda i: (i,)),
            pl.BlockSpec((ROWS, D), lambda i: (i, 0)),
        ],
        out_shape=[
            jax.ShapeDtypeStruct((N,), jnp.float32),
            jax.ShapeDtypeStruct((N, D), jnp.float32),
        ],
    )(element_weight, logits, data)


def _lane_allsum(v, L):
    lane = lax.iota(jnp.int32, L)
    dnums = lax.GatherDimensionNumbers(
        offset_dims=(), collapsed_slice_dims=(0,), start_index_map=(0,))
    k = 1
    while k < L:
        perm = lane ^ k
        v = v + lax.gather(v, perm[:, None], dnums, slice_sizes=(1,),
                           mode=lax.GatherScatterMode.PROMISE_IN_BOUNDS)
        k *= 2
    return v


def _sc_scatter_mean(wl, batch):
    N = wl.shape[0]
    B = 16
    L = 16
    NS = 16
    per_w = N // NS
    nv = per_w // L
    mesh = plsc.VectorSubcoreMesh(
        core_axis_name="c", subcore_axis_name="s", num_cores=1)

    @functools.partial(
        pl.kernel,
        out_type=jax.ShapeDtypeStruct((NS, 2, B), jnp.float32),
        mesh=mesh,
        scratch_types=[
            pltpu.VMEM((per_w,), jnp.float32),
            pltpu.VMEM((per_w,), jnp.int32),
            pltpu.VMEM((2, B), jnp.float32),
        ],
    )
    def k(wl_hbm, batch_hbm, out_hbm, wl_v, id_v, part):
        sid = lax.axis_index("s")
        base = sid * per_w
        pltpu.sync_copy(wl_hbm.at[pl.ds(base, per_w)], wl_v)
        pltpu.sync_copy(batch_hbm.at[pl.ds(base, per_w)], id_v)
        zeros = jnp.zeros((L,), jnp.float32)

        def step(j, carry):
            accs, accc = carry
            v = wl_v[pl.ds(j * L, L)]
            ids = id_v[pl.ds(j * L, L)]
            new_s = []
            new_c = []
            for b in range(B):
                m = ids == b
                new_s.append(accs[b] + jnp.where(m, v, 0.0))
                new_c.append(accc[b] + jnp.where(m, 1.0, 0.0))
            return (tuple(new_s), tuple(new_c))

        init = (tuple([zeros] * B), tuple([zeros] * B))
        accs, accc = lax.fori_loop(0, nv, step, init)
        lane = lax.iota(jnp.int32, L)
        s_vec = zeros
        c_vec = zeros
        for b in range(B):
            sel = lane == b
            s_vec = jnp.where(sel, _lane_allsum(accs[b], L), s_vec)
            c_vec = jnp.where(sel, _lane_allsum(accc[b], L), c_vec)
        part[0, :] = s_vec
        part[1, :] = c_vec
        pltpu.sync_copy(part, out_hbm.at[sid])

    return k(wl, batch)


def _finalize_body(NS, B, lvl_ref, part_ref, bw_ref, out_ref):
    p = part_ref[...]
    rows = lax.broadcasted_iota(jnp.int32, (2 * NS, B), 0)
    even = (rows % 2) == 0
    s = jnp.sum(jnp.where(even, p, 0.0), axis=0)
    c = jnp.sum(jnp.where(even, 0.0, p), axis=0)
    seg = s / jnp.clip(c, 1.0, None)
    seg = seg * bw_ref[...]
    seg = jnp.clip(seg, 0.0, lvl_ref[0])
    out_ref[0] = jnp.sum(seg) * (1.0 / B)


def _tc_finalize(partials, bw, lvl):
    NS = partials.shape[0]
    B = bw.shape[0]
    flat = partials.reshape(2 * NS, B)
    body = functools.partial(_finalize_body, NS, B)
    return pl.pallas_call(
        body,
        in_specs=[
            pl.BlockSpec(memory_space=pltpu.MemorySpace.SMEM),
            pl.BlockSpec((2 * NS, B), lambda: (0, 0)),
            pl.BlockSpec((B,), lambda: (0,)),
        ],
        out_specs=pl.BlockSpec(memory_space=pltpu.MemorySpace.SMEM),
        out_shape=jax.ShapeDtypeStruct((1,), jnp.float32),
    )(lvl, flat, bw)


def kernel(batch, logits, data, batch_weight, element_weight, level):
    lvl = jnp.asarray(level, jnp.float32).reshape(1)
    wl, logits_out = _tc_rowloss(logits, data, element_weight)
    partials = _sc_scatter_mean(wl, batch)
    loss = _tc_finalize(partials, batch_weight, lvl)
    return (loss[0], logits_out)

# --- scband reference (transcript-rebuilt; emitter-appended) ---
"""Pipeline reference for scband-interpolant-loss-function-54262616817947 (READ-ONLY COPY).

The authoritative reference and input builder live on the scoring server;
editing this copy changes nothing except your own understanding.
"""

import jax, jax.numpy as jnp
import numpy as np

N = 16384
D = 256
B = 16


def _scatter_mean(vals, idx, size):
    s = jax.ops.segment_sum(vals, idx, num_segments=size)
    c = jax.ops.segment_sum(jnp.ones_like(vals), idx, num_segments=size)
    return s / jnp.clip(c, 1.0, None)


def setup_inputs(seed: int = 0) -> dict:
    key = jax.random.key(seed)
    k1, k2, k3, k4, k5 = jax.random.split(key, 5)
    batch = jnp.sort(jax.random.randint(k1, (N,), 0, B))
    logits = jax.random.normal(k2, (N, D), dtype=jnp.float32)
    data = jax.random.normal(k3, (N, D), dtype=jnp.float32)
    batch_weight = jax.random.uniform(k4, (B,), dtype=jnp.float32)
    element_weight = jax.random.uniform(k5, (N,), dtype=jnp.float32)
    return {
        "batch": batch,
        "logits": logits,
        "data": data,
        "batch_weight": batch_weight,
        "element_weight": element_weight,
        "level": 10000,
    }


def reference(batch, logits, data, batch_weight=None, element_weight=None, level=10000):
    # continuous=True branch: per-element MSE averaged over feature dim
    loss = jnp.mean((logits - data) ** 2, axis=-1)
    output = logits
    if element_weight is not None:
        loss = loss * element_weight
    loss = _scatter_mean(loss, batch, B)
    if batch_weight is not None:
        loss = loss * batch_weight
    if level is not None:
        loss = jnp.clip(loss, 0.0, jnp.asarray(level, dtype=jnp.float32))
    # aggregation='mean', loss_scale=1.0
    loss = 1.0 * jnp.mean(loss)
    return (loss, output)

if __name__ == "__main__":
    import jax
    _d = setup_inputs()
    print(jax.jit(kernel)(*tuple(_d.values())))

</pallas_src>

<mosaic_0001>
#map = affine_map<(d0, d1) -> (0)>
#map1 = affine_map<(d0, d1) -> (0, 0, 0)>
module attributes {stable_mosaic.version = 14 : i64} {
  func.func @k(%arg0: i32, %arg1: i32, %arg2: memref<16384xf32, #tpu.memory_space<hbm>>, %arg3: memref<16384xi32, #tpu.memory_space<hbm>>, %arg4: memref<16x2x16xf32, #tpu.memory_space<hbm>>, %arg5: memref<1024xf32, #tpu.memory_space<vmem>>, %arg6: memref<1024xi32, #tpu.memory_space<vmem>>, %arg7: memref<2x16xf32, #tpu.memory_space<vmem>>) attributes {dimension_semantics = [#tpu.dimension_semantics<core_parallel>, #tpu.dimension_semantics<subcore_parallel>], iteration_bounds = array<i64: 1, 16>, scalar_prefetch = 0 : i64, scratch_operands = 3 : i64, tpu.core_type = #tpu.core_type<sc_vector_subcore>, window_params = [{transform_indices = #map}, {transform_indices = #map}, {transform_indices = #map1}]} {
    %mul3A = arith.constant 1024 : i32
    %mul3A_0 = arith.muli %arg1, %mul3A : i32
    "tpu.region"() ({
      %run_scoped3A = tpu.sem_alloc : memref<!tpu.dma_semaphore, #tpu.memory_space<semaphore_mem>>
      %dma_start3A = tpu.memref_slice %arg2[%mul3A_0] : memref<16384xf32, #tpu.memory_space<hbm>> -> memref<1024xf32, #tpu.memory_space<hbm>>
      %dma_start3A_1021 = tpu.memref_slice %arg2[%mul3A_0] : memref<16384xf32, #tpu.memory_space<hbm>> -> memref<1024xf32, #tpu.memory_space<hbm>>
      tpu.enqueue_dma source(%dma_start3A_1021 : memref<1024xf32, #tpu.memory_space<hbm>>) target(%arg5 : memref<1024xf32, #tpu.memory_space<vmem>>) target_semaphore(%run_scoped3A : memref<!tpu.dma_semaphore, #tpu.memory_space<semaphore_mem>>)
      %dma_wait3A = tpu.memref_slice %arg2[%mul3A_0] : memref<16384xf32, #tpu.memory_space<hbm>> -> memref<1024xf32, #tpu.memory_space<hbm>>
      %dma_wait3A_1022 = tpu.memref_slice %arg2[%mul3A_0] : memref<16384xf32, #tpu.memory_space<hbm>> -> memref<1024xf32, #tpu.memory_space<hbm>>
      tpu.wait_dma2 semaphore(%run_scoped3A : memref<!tpu.dma_semaphore, #tpu.memory_space<semaphore_mem>>) src(%dma_wait3A_1022 : memref<1024xf32, #tpu.memory_space<hbm>>) dst(%arg5 : memref<1024xf32, #tpu.memory_space<vmem>>)
      tpu.yield
    }) : () -> ()
    "tpu.region"() ({
      %run_scoped3A = tpu.sem_alloc : memref<!tpu.dma_semaphore, #tpu.memory_space<semaphore_mem>>
      %dma_start3A = tpu.memref_slice %arg3[%mul3A_0] : memref<16384xi32, #tpu.memory_space<hbm>> -> memref<1024xi32, #tpu.memory_space<hbm>>
      %dma_start3A_1021 = tpu.memref_slice %arg3[%mul3A_0] : memref<16384xi32, #tpu.memory_space<hbm>> -> memref<1024xi32, #tpu.memory_space<hbm>>
      tpu.enqueue_dma source(%dma_start3A_1021 : memref<1024xi32, #tpu.memory_space<hbm>>) target(%arg6 : memref<1024xi32, #tpu.memory_space<vmem>>) target_semaphore(%run_scoped3A : memref<!tpu.dma_semaphore, #tpu.memory_space<semaphore_mem>>)
      %dma_wait3A = tpu.memref_slice %arg3[%mul3A_0] : memref<16384xi32, #tpu.memory_space<hbm>> -> memref<1024xi32, #tpu.memory_space<hbm>>
      %dma_wait3A_1022 = tpu.memref_slice %arg3[%mul3A_0] : memref<16384xi32, #tpu.memory_space<hbm>> -> memref<1024xi32, #tpu.memory_space<hbm>>
      tpu.wait_dma2 semaphore(%run_scoped3A : memref<!tpu.dma_semaphore, #tpu.memory_space<semaphore_mem>>) src(%dma_wait3A_1022 : memref<1024xi32, #tpu.memory_space<hbm>>) dst(%arg6 : memref<1024xi32, #tpu.memory_space<vmem>>)
      tpu.yield
    }) : () -> ()
    %broadcast_in_dim3A = arith.constant 0.000000e+00 : f32
    %broadcast_in_dim3A_1 = vector.broadcast %broadcast_in_dim3A : f32 to vector<16xf32>
    %scan3A = arith.constant 0 : i32
    %scan3A_2 = arith.constant 64 : i32
    %scan3A_3 = arith.addi %scan3A, %scan3A_2 : i32
    %scan3A_4 = arith.constant 1 : i32
    %scan3A_5:32 = scf.for %scan3A_1021 = %scan3A to %scan3A_3 step %scan3A_4 iter_args(%scan3A_1022 = %broadcast_in_dim3A_1, %scan3A_1023 = %broadcast_in_dim3A_1, %scan3A_1024 = %broadcast_in_dim3A_1, %scan3A_1025 = %broadcast_in_dim3A_1, %scan3A_1026 = %broadcast_in_dim3A_1, %scan3A_1027 = %broadcast_in_dim3A_1, %scan3A_1028 = %broadcast_in_dim3A_1, %scan3A_1029 = %broadcast_in_dim3A_1, %scan3A_1030 = %broadcast_in_dim3A_1, %scan3A_1031 = %broadcast_in_dim3A_1, %scan3A_1032 = %broadcast_in_dim3A_1, %scan3A_1033 = %broadcast_in_dim3A_1, %scan3A_1034 = %broadcast_in_dim3A_1, %scan3A_1035 = %broadcast_in_dim3A_1, %scan3A_1036 = %broadcast_in_dim3A_1, %scan3A_1037 = %broadcast_in_dim3A_1, %scan3A_1038 = %broadcast_in_dim3A_1, %scan3A_1039 = %broadcast_in_dim3A_1, %scan3A_1040 = %broadcast_in_dim3A_1, %scan3A_1041 = %broadcast_in_dim3A_1, %scan3A_1042 = %broadcast_in_dim3A_1, %scan3A_1043 = %broadcast_in_dim3A_1, %scan3A_1044 = %broadcast_in_dim3A_1, %scan3A_1045 = %broadcast_in_dim3A_1, %scan3A_1046 = %broadcast_in_dim3A_1, %scan3A_1047 = %broadcast_in_dim3A_1, %scan3A_1048 = %broadcast_in_dim3A_1, %scan3A_1049 = %broadcast_in_dim3A_1, %scan3A_1050 = %broadcast_in_dim3A_1, %scan3A_1051 = %broadcast_in_dim3A_1, %scan3A_1052 = %broadcast_in_dim3A_1, %scan3A_1053 = %broadcast_in_dim3A_1) -> (vector<16xf32>, vector<16xf32>, vector<16xf32>, vector<16xf32>, vector<16xf32>, vector<16xf32>, vector<16xf32>, vector<16xf32>, vector<16xf32>, vector<16xf32>, vector<16xf32>, vector<16xf32>, vector<16xf32>, vector<16xf32>, vector<16xf32>, vector<16xf32>, vector<16xf32>, vector<16xf32>, vector<16xf32>, vector<16xf32>, vector<16xf32>, vector<16xf32>, vector<16xf32>, vector<16xf32>, vector<16xf32>, vector<16xf32>, vector<16xf32>, vector<16xf32>, vector<16xf32>, vector<16xf32>, vector<16xf32>, vector<16xf32>)  : i32 {
      %mul3A_1054 = arith.constant 16 : i32
      %mul3A_1055 = arith.muli %scan3A_1021, %mul3A_1054 : i32
      %get3A = arith.index_cast %mul3A_1055 : i32 to index
      %get3A_1056 = tpu.vector_load %arg5[%get3A] {strides = array<i32>} : memref<1024xf32, #tpu.memory_space<vmem>>, vector<16xf32>,
      %get3A_1057 = vector.shape_cast %get3A_1056 : vector<16xf32> to vector<16xf32>
      %mul3A_1058 = arith.constant 16 : i32
      %mul3A_1059 = arith.muli %scan3A_1021, %mul3A_1058 : i32
      %get3A_1060 = arith.index_cast %mul3A_1059 : i32 to index
      %get3A_1061 = tpu.vector_load %arg6[%get3A_1060] {strides = array<i32>} : memref<1024xi32, #tpu.memory_space<vmem>>, vector<16xi32>,
      %get3A_1062 = vector.shape_cast %get3A_1061 : vector<16xi32> to vector<16xi32>
      %eq3A_1063 = arith.constant 0 : i32
      %eq3A_1064 = vector.broadcast %eq3A_1063 : i32 to vector<16xi32>
      %eq3A_1065 = arith.cmpi eq, %get3A_1062, %eq3A_1064 : vector<16xi32>
      %jit3A = arith.constant 0.000000e+00 : f32
      %broadcast_in_dim3A_1066 = vector.broadcast %jit3A : f32 to vector<16xf32>
      %select_n3A_1067 = arith.select %eq3A_1065, %get3A_1057, %broadcast_in_dim3A_1066 : vector<16xi1>, vector<16xf32>
      %add3A_1068 = arith.addf %scan3A_1022, %select_n3A_1067 : vector<16xf32>
      %jit3A_1069 = arith.constant 1.000000e+00 : f32
      %jit3A_1070 = arith.constant 0.000000e+00 : f32
      %broadcast_in_dim3A_1071 = vector.broadcast %jit3A_1069 : f32 to vector<16xf32>
      %broadcast_in_dim3A_1072 = vector.broadcast %jit3A_1070 : f32 to vector<16xf32>
      %select_n3A_1073 = arith.select %eq3A_1065, %broadcast_in_dim3A_1071, %broadcast_in_dim3A_1072 : vector<16xi1>, vector<16xf32>
      %add3A_1074 = arith.addf %scan3A_1038, %select_n3A_1073 : vector<16xf32>
      %eq3A_1075 = arith.constant 1 : i32
      %eq3A_1076 = vector.broadcast %eq3A_1075 : i32 to vector<16xi32>
      %eq3A_1077 = arith.cmpi eq, %get3A_1062, %eq3A_1076 : vector<16xi32>
      %jit3A_1078 = arith.constant 0.000000e+00 : f32
      %broadcast_in_dim3A_1079 = vector.broadcast %jit3A_1078 : f32 to vector<16xf32>
      %select_n3A_1080 = arith.select %eq3A_1077, %get3A_1057, %broadcast_in_dim3A_1079 : vector<16xi1>, vector<16xf32>
      %add3A_1081 = arith.addf %scan3A_1023, %select_n3A_1080 : vector<16xf32>
      %jit3A_1082 = arith.constant 1.000000e+00 : f32
      %jit3A_1083 = arith.constant 0.000000e+00 : f32
      %broadcast_in_dim3A_1084 = vector.broadcast %jit3A_1082 : f32 to vector<16xf32>
      %broadcast_in_dim3A_1085 = vector.broadcast %jit3A_1083 : f32 to vector<16xf32>
      %select_n3A_1086 = arith.select %eq3A_1077, %broadcast_in_dim3A_1084, %broadcast_in_dim3A_1085 : vector<16xi1>, vector<16xf32>
      %add3A_1087 = arith.addf %scan3A_1039, %select_n3A_1086 : vector<16xf32>
      %eq3A_1088 = arith.constant 2 : i32
      %eq3A_1089 = vector.broadcast %eq3A_1088 : i32 to vector<16xi32>
      %eq3A_1090 = arith.cmpi eq, %get3A_1062, %eq3A_1089 : vector<16xi32>
      %jit3A_1091 = arith.constant 0.000000e+00 : f32
      %broadcast_in_dim3A_1092 = vector.broadcast %jit3A_1091 : f32 to vector<16xf32>
      %select_n3A_1093 = arith.select %eq3A_1090, %get3A_1057, %broadcast_in_dim3A_1092 : vector<16xi1>, vector<16xf32>
      %add3A_1094 = arith.addf %scan3A_1024, %select_n3A_1093 : vector<16xf32>
      %jit3A_1095 = arith.constant 1.000000e+00 : f32
      %jit3A_1096 = arith.constant 0.000000e+00 : f32
      %broadcast_in_dim3A_1097 = vector.broadcast %jit3A_1095 : f32 to vector<16xf32>
      %broadcast_in_dim3A_1098 = vector.broadcast %jit3A_1096 : f32 to vector<16xf32>
      %select_n3A_1099 = arith.select %eq3A_1090, %broadcast_in_dim3A_1097, %broadcast_in_dim3A_1098 : vector<16xi1>, vector<16xf32>
      %add3A_1100 = arith.addf %scan3A_1040, %select_n3A_1099 : vector<16xf32>
      %eq3A_1101 = arith.constant 3 : i32
      %eq3A_1102 = vector.broadcast %eq3A_1101 : i32 to vector<16xi32>
      %eq3A_1103 = arith.cmpi eq, %get3A_1062, %eq3A_1102 : vector<16xi32>
      %jit3A_1104 = arith.constant 0.000000e+00 : f32
      %broadcast_in_dim3A_1105 = vector.broadcast %jit3A_1104 : f32 to vector<16xf32>
      %select_n3A_1106 = arith.select %eq3A_1103, %get3A_1057, %broadcast_in_dim3A_1105 : vector<16xi1>, vector<16xf32>
      %add3A_1107 = arith.addf %scan3A_1025, %select_n3A_1106 : vector<16xf32>
      %jit3A_1108 = arith.constant 1.000000e+00 : f32
      %jit3A_1109 = arith.constant 0.000000e+00 : f32
      %broadcast_in_dim3A_1110 = vector.broadcast %jit3A_1108 : f32 to vector<16xf32>
      %broadcast_in_dim3A_1111 = vector.broadcast %jit3A_1109 : f32 to vector<16xf32>
      %select_n3A_1112 = arith.select %eq3A_1103, %broadcast_in_dim3A_1110, %broadcast_in_dim3A_1111 : vector<16xi1>, vector<16xf32>
      %add3A_1113 = arith.addf %scan3A_1041, %select_n3A_1112 : vector<16xf32>
      %eq3A_1114 = arith.constant 4 : i32
      %eq3A_1115 = vector.broadcast %eq3A_1114 : i32 to vector<16xi32>
      %eq3A_1116 = arith.cmpi eq, %get3A_1062, %eq3A_1115 : vector<16xi32>
      %jit3A_1117 = arith.constant 0.000000e+00 : f32
      %broadcast_in_dim3A_1118 = vector.broadcast %jit3A_1117 : f32 to vector<16xf32>
      %select_n3A_1119 = arith.select %eq3A_1116, %get3A_1057, %broadcast_in_dim3A_1118 : vector<16xi1>, vector<16xf32>
      %add3A_1120 = arith.addf %scan3A_1026, %select_n3A_1119 : vector<16xf32>
      %jit3A_1121 = arith.constant 1.000000e+00 : f32
      %jit3A_1122 = arith.constant 0.000000e+00 : f32
      %broadcast_in_dim3A_1123 = vector.broadcast %jit3A_1121 : f32 to vector<16xf32>
      %broadcast_in_dim3A_1124 = vector.broadcast %jit3A_1122 : f32 to vector<16xf32>
      %select_n3A_1125 = arith.select %eq3A_1116, %broadcast_in_dim3A_1123, %broadcast_in_dim3A_1124 : vector<16xi1>, vector<16xf32>
      %add3A_1126 = arith.addf %scan3A_1042, %select_n3A_1125 : vector<16xf32>
      %eq3A_1127 = arith.constant 5 : i32
      %eq3A_1128 = vector.broadcast %eq3A_1127 : i32 to vector<16xi32>
      %eq3A_1129 = arith.cmpi eq, %get3A_1062, %eq3A_1128 : vector<16xi32>
      %jit3A_1130 = arith.constant 0.000000e+00 : f32
      %broadcast_in_dim3A_1131 = vector.broadcast %jit3A_1130 : f32 to vector<16xf32>
      %select_n3A_1132 = arith.select %eq3A_1129, %get3A_1057, %broadcast_in_dim3A_1131 : vector<16xi1>, vector<16xf32>
      %add3A_1133 = arith.addf %scan3A_1027, %select_n3A_1132 : vector<16xf32>
      %jit3A_1134 = arith.constant 1.000000e+00 : f32
      %jit3A_1135 = arith.constant 0.000000e+00 : f32
      %broadcast_in_dim3A_1136 = vector.broadcast %jit3A_1134 : f32 to vector<16xf32>
      %broadcast_in_dim3A_1137 = vector.broadcast %jit3A_1135 : f32 to vector<16xf32>
      %select_n3A_1138 = arith.select %eq3A_1129, %broadcast_in_dim3A_1136, %broadcast_in_dim3A_1137 : vector<16xi1>, vector<16xf32>
      %add3A_1139 = arith.addf %scan3A_1043, %select_n3A_1138 : vector<16xf32>
      %eq3A_1140 = arith.constant 6 : i32
      %eq3A_1141 = vector.broadcast %eq3A_1140 : i32 to vector<16xi32>
      %eq3A_1142 = arith.cmpi eq, %get3A_1062, %eq3A_1141 : vector<16xi32>
      %jit3A_1143 = arith.constant 0.000000e+00 : f32
      %broadcast_in_dim3A_1144 = vector.broadcast %jit3A_1143 : f32 to vector<16xf32>
      %select_n3A_1145 = arith.select %eq3A_1142, %get3A_1057, %broadcast_in_dim3A_1144 : vector<16xi1>, vector<16xf32>
      %add3A_1146 = arith.addf %scan3A_1028, %select_n3A_1145 : vector<16xf32>
      %jit3A_1147 = arith.constant 1.000000e+00 : f32
      %jit3A_1148 = arith.constant 0.000000e+00 : f32
      %broadcast_in_dim3A_1149 = vector.broadcast %jit3A_1147 : f32 to vector<16xf32>
      %broadcast_in_dim3A_1150 = vector.broadcast %jit3A_1148 : f32 to vector<16xf32>
      %select_n3A_1151 = arith.select %eq3A_1142, %broadcast_in_dim3A_1149, %broadcast_in_dim3A_1150 : vector<16xi1>, vector<16xf32>
      %add3A_1152 = arith.addf %scan3A_1044, %select_n3A_1151 : vector<16xf32>
      %eq3A_1153 = arith.constant 7 : i32
      %eq3A_1154 = vector.broadcast %eq3A_1153 : i32 to vector<16xi32>
      %eq3A_1155 = arith.cmpi eq, %get3A_1062, %eq3A_1154 : vector<16xi32>
      %jit3A_1156 = arith.constant 0.000000e+00 : f32
      %broadcast_in_dim3A_1157 = vector.broadcast %jit3A_1156 : f32 to vector<16xf32>
      %select_n3A_1158 = arith.select %eq3A_1155, %get3A_1057, %broadcast_in_dim3A_1157 : vector<16xi1>, vector<16xf32>
      %add3A_1159 = arith.addf %scan3A_1029, %select_n3A_1158 : vector<16xf32>
      %jit3A_1160 = arith.constant 1.000000e+00 : f32
      %jit3A_1161 = arith.constant 0.000000e+00 : f32
      %broadcast_in_dim3A_1162 = vector.broadcast %jit3A_1160 : f32 to vector<16xf32>
      %broadcast_in_dim3A_1163 = vector.broadcast %jit3A_1161 : f32 to vector<16xf32>
      %select_n3A_1164 = arith.select %eq3A_1155, %broadcast_in_dim3A_1162, %broadcast_in_dim3A_1163 : vector<16xi1>, vector<16xf32>
      %add3A_1165 = arith.addf %scan3A_1045, %select_n3A_1164 : vector<16xf32>
      %eq3A_1166 = arith.constant 8 : i32
      %eq3A_1167 = vector.broadcast %eq3A_1166 : i32 to vector<16xi32>
      %eq3A_1168 = arith.cmpi eq, %get3A_1062, %eq3A_1167 : vector<16xi32>
      %jit3A_1169 = arith.constant 0.000000e+00 : f32
      %broadcast_in_dim3A_1170 = vector.broadcast %jit3A_1169 : f32 to vector<16xf32>
      %select_n3A_1171 = arith.select %eq3A_1168, %get3A_1057, %broadcast_in_dim3A_1170 : vector<16xi1>, vector<16xf32>
      %add3A_1172 = arith.addf %scan3A_1030, %select_n3A_1171 : vector<16xf32>
      %jit3A_1173 = arith.constant 1.000000e+00 : f32
      %jit3A_1174 = arith.constant 0.000000e+00 : f32
      %broadcast_in_dim3A_1175 = vector.broadcast %jit3A_1173 : f32 to vector<16xf32>
      %broadcast_in_dim3A_1176 = vector.broadcast %jit3A_1174 : f32 to vector<16xf32>
      %select_n3A_1177 = arith.select %eq3A_1168, %broadcast_in_dim3A_1175, %broadcast_in_dim3A_1176 : vector<16xi1>, vector<16xf32>
      %add3A_1178 = arith.addf %scan3A_1046, %select_n3A_1177 : vector<16xf32>
      %eq3A_1179 = arith.constant 9 : i32
      %eq3A_1180 = vector.broadcast %eq3A_1179 : i32 to vector<16xi32>
      %eq3A_1181 = arith.cmpi eq, %get3A_1062, %eq3A_1180 : vector<16xi32>
      %jit3A_1182 = arith.constant 0.000000e+00 : f32
      %broadcast_in_dim3A_1183 = vector.broadcast %jit3A_1182 : f32 to vector<16xf32>
      %select_n3A_1184 = arith.select %eq3A_1181, %get3A_1057, %broadcast_in_dim3A_1183 : vector<16xi1>, vector<16xf32>
      %add3A_1185 = arith.addf %scan3A_1031, %select_n3A_1184 : vector<16xf32>
      %jit3A_1186 = arith.constant 1.000000e+00 : f32
      %jit3A_1187 = arith.constant 0.000000e+00 : f32
      %broadcast_in_dim3A_1188 = vector.broadcast %jit3A_1186 : f32 to vector<16xf32>
      %broadcast_in_dim3A_1189 = vector.broadcast %jit3A_1187 : f32 to vector<16xf32>
      %select_n3A_1190 = arith.select %eq3A_1181, %broadcast_in_dim3A_1188, %broadcast_in_dim3A_1189 : vector<16xi1>, vector<16xf32>
      %add3A_1191 = arith.addf %scan3A_1047, %select_n3A_1190 : vector<16xf32>
      %eq3A_1192 = arith.constant 10 : i32
      %eq3A_1193 = vector.broadcast %eq3A_1192 : i32 to vector<16xi32>
      %eq3A_1194 = arith.cmpi eq, %get3A_1062, %eq3A_1193 : vector<16xi32>
      %jit3A_1195 = arith.constant 0.000000e+00 : f32
      %broadcast_in_dim3A_1196 = vector.broadcast %jit3A_1195 : f32 to vector<16xf32>
      %select_n3A_1197 = arith.select %eq3A_1194, %get3A_1057, %broadcast_in_dim3A_1196 : vector<16xi1>, vector<16xf32>
      %add3A_1198 = arith.addf %scan3A_1032, %select_n3A_1197 : vector<16xf32>
      %jit3A_1199 = arith.constant 1.000000e+00 : f32
      %jit3A_1200 = arith.constant 0.000000e+00 : f32
      %broadcast_in_dim3A_1201 = vector.broadcast %jit3A_1199 : f32 to vector<16xf32>
      %broadcast_in_dim3A_1202 = vector.broadcast %jit3A_1200 : f32 to vector<16xf32>
      %select_n3A_1203 = arith.select %eq3A_1194, %broadcast_in_dim3A_1201, %broadcast_in_dim3A_1202 : vector<16xi1>, vector<16xf32>
      %add3A_1204 = arith.addf %scan3A_1048, %select_n3A_1203 : vector<16xf32>
      %eq3A_1205 = arith.constant 11 : i32
      %eq3A_1206 = vector.broadcast %eq3A_1205 : i32 to vector<16xi32>
      %eq3A_1207 = arith.cmpi eq, %get3A_1062, %eq3A_1206 : vector<16xi32>
      %jit3A_1208 = arith.constant 0.000000e+00 : f32
      %broadcast_in_dim3A_1209 = vector.broadcast %jit3A_1208 : f32 to vector<16xf32>
      %select_n3A_1210 = arith.select %eq3A_1207, %get3A_1057, %broadcast_in_dim3A_1209 : vector<16xi1>, vector<16xf32>
      %add3A_1211 = arith.addf %scan3A_1033, %select_n3A_1210 : vector<16xf32>
      %jit3A_1212 = arith.constant 1.000000e+00 : f32
      %jit3A_1213 = arith.constant 0.000000e+00 : f32
      %broadcast_in_dim3A_1214 = vector.broadcast %jit3A_1212 : f32 to vector<16xf32>
      %broadcast_in_dim3A_1215 = vector.broadcast %jit3A_1213 : f32 to vector<16xf32>
      %select_n3A_1216 = arith.select %eq3A_1207, %broadcast_in_dim3A_1214, %broadcast_in_dim3A_1215 : vector<16xi1>, vector<16xf32>
      %add3A_1217 = arith.addf %scan3A_1049, %select_n3A_1216 : vector<16xf32>
      %eq3A_1218 = arith.constant 12 : i32
      %eq3A_1219 = vector.broadcast %eq3A_1218 : i32 to vector<16xi32>
      %eq3A_1220 = arith.cmpi eq, %get3A_1062, %eq3A_1219 : vector<16xi32>
      %jit3A_1221 = arith.constant 0.000000e+00 : f32
      %broadcast_in_dim3A_1222 = vector.broadcast %jit3A_1221 : f32 to vector<16xf32>
      %select_n3A_1223 = arith.select %eq3A_1220, %get3A_1057, %broadcast_in_dim3A_1222 : vector<16xi1>, vector<16xf32>
      %add3A_1224 = arith.addf %scan3A_1034, %select_n3A_1223 : vector<16xf32>
      %jit3A_1225 = arith.constant 1.000000e+00 : f32
      %jit3A_1226 = arith.constant 0.000000e+00 : f32
      %broadcast_in_dim3A_1227 = vector.broadcast %jit3A_1225 : f32 to vector<16xf32>
      %broadcast_in_dim3A_1228 = vector.broadcast %jit3A_1226 : f32 to vector<16xf32>
      %select_n3A_1229 = arith.select %eq3A_1220, %broadcast_in_dim3A_1227, %broadcast_in_dim3A_1228 : vector<16xi1>, vector<16xf32>
      %add3A_1230 = arith.addf %scan3A_1050, %select_n3A_1229 : vector<16xf32>
      %eq3A_1231 = arith.constant 13 : i32
      %eq3A_1232 = vector.broadcast %eq3A_1231 : i32 to vector<16xi32>
      %eq3A_1233 = arith.cmpi eq, %get3A_1062, %eq3A_1232 : vector<16xi32>
      %jit3A_1234 = arith.constant 0.000000e+00 : f32
      %broadcast_in_dim3A_1235 = vector.broadcast %jit3A_1234 : f32 to vector<16xf32>
      %select_n3A_1236 = arith.select %eq3A_1233, %get3A_1057, %broadcast_in_dim3A_1235 : vector<16xi1>, vector<16xf32>
      %add3A_1237 = arith.addf %scan3A_1035, %select_n3A_1236 : vector<16xf32>
      %jit3A_1238 = arith.constant 1.000000e+00 : f32
      %jit3A_1239 = arith.constant 0.000000e+00 : f32
      %broadcast_in_dim3A_1240 = vector.broadcast %jit3A_1238 : f32 to vector<16xf32>
      %broadcast_in_dim3A_1241 = vector.broadcast %jit3A_1239 : f32 to vector<16xf32>
      %select_n3A_1242 = arith.select %eq3A_1233, %broadcast_in_dim3A_1240, %broadcast_in_dim3A_1241 : vector<16xi1>, vector<16xf32>
      %add3A_1243 = arith.addf %scan3A_1051, %select_n3A_1242 : vector<16xf32>
      %eq3A_1244 = arith.constant 14 : i32
      %eq3A_1245 = vector.broadcast %eq3A_1244 : i32 to vector<16xi32>
      %eq3A_1246 = arith.cmpi eq, %get3A_1062, %eq3A_1245 : vector<16xi32>
      %jit3A_1247 = arith.constant 0.000000e+00 : f32
      %broadcast_in_dim3A_1248 = vector.broadcast %jit3A_1247 : f32 to vector<16xf32>
      %select_n3A_1249 = arith.select %eq3A_1246, %get3A_1057, %broadcast_in_dim3A_1248 : vector<16xi1>, vector<16xf32>
      %add3A_1250 = arith.addf %scan3A_1036, %select_n3A_1249 : vector<16xf32>
      %jit3A_1251 = arith.constant 1.000000e+00 : f32
      %jit3A_1252 = arith.constant 0.000000e+00 : f32
      %broadcast_in_dim3A_1253 = vector.broadcast %jit3A_1251 : f32 to vector<16xf32>
      %broadcast_in_dim3A_1254 = vector.broadcast %jit3A_1252 : f32 to vector<16xf32>
      %select_n3A_1255 = arith.select %eq3A_1246, %broadcast_in_dim3A_1253, %broadcast_in_dim3A_1254 : vector<16xi1>, vector<16xf32>
      %add3A_1256 = arith.addf %scan3A_1052, %select_n3A_1255 : vector<16xf32>
      %eq3A_1257 = arith.constant 15 : i32
      %eq3A_1258 = vector.broadcast %eq3A_1257 : i32 to vector<16xi32>
      %eq3A_1259 = arith.cmpi eq, %get3A_1062, %eq3A_1258 : vector<16xi32>
      %jit3A_1260 = arith.constant 0.000000e+00 : f32
      %broadcast_in_dim3A_1261 = vector.broadcast %jit3A_1260 : f32 to vector<16xf32>
      %select_n3A_1262 = arith.select %eq3A_1259, %get3A_1057, %broadcast_in_dim3A_1261 : vector<16xi1>, vector<16xf32>
      %add3A_1263 = arith.addf %scan3A_1037, %select_n3A_1262 : vector<16xf32>
      %jit3A_1264 = arith.constant 1.000000e+00 : f32
      %jit3A_1265 = arith.constant 0.000000e+00 : f32
      %broadcast_in_dim3A_1266 = vector.broadcast %jit3A_1264 : f32 to vector<16xf32>
      %broadcast_in_dim3A_1267 = vector.broadcast %jit3A_1265 : f32 to vector<16xf32>
      %select_n3A_1268 = arith.select %eq3A_1259, %broadcast_in_dim3A_1266, %broadcast_in_dim3A_1267 : vector<16xi1>, vector<16xf32>
      %add3A_1269 = arith.addf %scan3A_1053, %select_n3A_1268 : vector<16xf32>
      scf.yield %add3A_1068, %add3A_1081, %add3A_1094, %add3A_1107, %add3A_1120, %add3A_1133, %add3A_1146, %add3A_1159, %add3A_1172, %add3A_1185, %add3A_1198, %add3A_1211, %add3A_1224, %add3A_1237, %add3A_1250, %add3A_1263, %add3A_1074, %add3A_1087, %add3A_1100, %add3A_1113, %add3A_1126, %add3A_1139, %add3A_1152, %add3A_1165, %add3A_1178, %add3A_1191, %add3A_1204, %add3A_1217, %add3A_1230, %add3A_1243, %add3A_1256, %add3A_1269 : vector<16xf32>, vector<16xf32>, vector<16xf32>, vector<16xf32>, vector<16xf32>, vector<16xf32>, vector<16xf32>, vector<16xf32>, vector<16xf32>, vector<16xf32>, vector<16xf32>, vector<16xf32>, vector<16xf32>, vector<16xf32>, vector<16xf32>, vector<16xf32>, vector<16xf32>, vector<16xf32>, vector<16xf32>, vector<16xf32>, vector<16xf32>, vector<16xf32>, vector<16xf32>, vector<16xf32>, vector<16xf32>, vector<16xf32>, vector<16xf32>, vector<16xf32>, vector<16xf32>, vector<16xf32>, vector<16xf32>, vector<16xf32>
    }
    %scan3A_6 = arith.constant 64 : i32
    %iota3A = tpu.iota {dimensions = array<i32: 0>} : vector<16xi32>
    %eq3A = arith.constant 0 : i32
    %eq3A_7 = vector.broadcast %eq3A : i32 to vector<16xi32>
    %eq3A_8 = arith.cmpi eq, %iota3A, %eq3A_7 : vector<16xi32>
    %iota3A_9 = tpu.iota {dimensions = array<i32: 0>} : vector<16xi32>
    %xor3A = arith.constant 1 : i32
    %xor3A_10 = vector.broadcast %xor3A : i32 to vector<16xi32>
    %xor3A_11 = arith.xori %iota3A_9, %xor3A_10 : vector<16xi32>
    %broadcast_in_dim3A_12 = vector.shape_cast %xor3A_11 : vector<16xi32> to vector<16x1xi32>
    %gather3A = vector.shape_cast %broadcast_in_dim3A_12 : vector<16x1xi32> to vector<16xi32>
    %gather3A_13 = tpu.dynamic_gather %scan3A_5#0[%gather3A] in [0] : vector<16xf32>, vector<16xi32> -> vector<16xf32>
    %add3A = arith.addf %scan3A_5#0, %gather3A_13 : vector<16xf32>
    %xor3A_14 = arith.constant 2 : i32
    %xor3A_15 = vector.broadcast %xor3A_14 : i32 to vector<16xi32>
    %xor3A_16 = arith.xori %iota3A_9, %xor3A_15 : vector<16xi32>
    %broadcast_in_dim3A_17 = vector.shape_cast %xor3A_16 : vector<16xi32> to vector<16x1xi32>
    %gather3A_18 = vector.shape_cast %broadcast_in_dim3A_17 : vector<16x1xi32> to vector<16xi32>
    %gather3A_19 = tpu.dynamic_gather %add3A[%gather3A_18] in [0] : vector<16xf32>, vector<16xi32> -> vector<16xf32>
    %add3A_20 = arith.addf %add3A, %gather3A_19 : vector<16xf32>
    %xor3A_21 = arith.constant 4 : i32
    %xor3A_22 = vector.broadcast %xor3A_21 : i32 to vector<16xi32>
    %xor3A_23 = arith.xori %iota3A_9, %xor3A_22 : vector<16xi32>
    %broadcast_in_dim3A_24 = vector.shape_cast %xor3A_23 : vector<16xi32> to vector<16x1xi32>
    %gather3A_25 = vector.shape_cast %broadcast_in_dim3A_24 : vector<16x1xi32> to vector<16xi32>
    %gather3A_26 = tpu.dynamic_gather %add3A_20[%gather3A_25] in [0] : vector<16xf32>, vector<16xi32> -> vector<16xf32>
    %add3A_27 = arith.addf %add3A_20, %gather3A_26 : vector<16xf32>
    %xor3A_28 = arith.constant 8 : i32
    %xor3A_29 = vector.broadcast %xor3A_28 : i32 to vector<16xi32>
    %xor3A_30 = arith.xori %iota3A_9, %xor3A_29 : vector<16xi32>
    %broadcast_in_dim3A_31 = vector.shape_cast %xor3A_30 : vector<16xi32> to vector<16x1xi32>
    %gather3A_32 = vector.shape_cast %broadcast_in_dim3A_31 : vector<16x1xi32> to vector<16xi32>
    %gather3A_33 = tpu.dynamic_gather %add3A_27[%gather3A_32] in [0] : vector<16xf32>, vector<16xi32> -> vector<16xf32>
    %add3A_34 = arith.addf %add3A_27, %gather3A_33 : vector<16xf32>
    %select_n3A = arith.select %eq3A_8, %add3A_34, %broadcast_in_dim3A_1 : vector<16xi1>, vector<16xf32>
    %iota3A_35 = tpu.iota {dimensions = array<i32: 0>} : vector<16xi32>
    %xor3A_36 = arith.constant 1 : i32
    %xor3A_37 = vector.broadcast %xor3A_36 : i32 to vector<16xi32>
    %xor3A_38 = arith.xori %iota3A_35, %xor3A_37 : vector<16xi32>
    %broadcast_in_dim3A_39 = vector.shape_cast %xor3A_38 : vector<16xi32> to vector<16x1xi32>
    %gather3A_40 = vector.shape_cast %broadcast_in_dim3A_39 : vector<16x1xi32> to vector<16xi32>
    %gather3A_41 = tpu.dynamic_gather %scan3A_5#16[%gather3A_40] in [0] : vector<16xf32>, vector<16xi32> -> vector<16xf32>
    %add3A_42 = arith.addf %scan3A_5#16, %gather3A_41 : vector<16xf32>
    %xor3A_43 = arith.constant 2 : i32
    %xor3A_44 = vector.broadcast %xor3A_43 : i32 to vector<16xi32>
    %xor3A_45 = arith.xori %iota3A_35, %xor3A_44 : vector<16xi32>
    %broadcast_in_dim3A_46 = vector.shape_cast %xor3A_45 : vector<16xi32> to vector<16x1xi32>
    %gather3A_47 = vector.shape_cast %broadcast_in_dim3A_46 : vector<16x1xi32> to vector<16xi32>
    %gather3A_48 = tpu.dynamic_gather %add3A_42[%gather3A_47] in [0] : vector<16xf32>, vector<16xi32> -> vector<16xf32>
    %add3A_49 = arith.addf %add3A_42, %gather3A_48 : vector<16xf32>
    %xor3A_50 = arith.constant 4 : i32
    %xor3A_51 = vector.broadcast %xor3A_50 : i32 to vector<16xi32>
    %xor3A_52 = arith.xori %iota3A_35, %xor3A_51 : vector<16xi32>
    %broadcast_in_dim3A_53 = vector.shape_cast %xor3A_52 : vector<16xi32> to vector<16x1xi32>
    %gather3A_54 = vector.shape_cast %broadcast_in_dim3A_53 : vector<16x1xi32> to vector<16xi32>
    %gather3A_55 = tpu.dynamic_gather %add3A_49[%gather3A_54] in [0] : vector<16xf32>, vector<16xi32> -> vector<16xf32>
    %add3A_56 = arith.addf %add3A_49, %gather3A_55 : vector<16xf32>
    %xor3A_57 = arith.constant 8 : i32
    %xor3A_58 = vector.broadcast %xor3A_57 : i32 to vector<16xi32>
    %xor3A_59 = arith.xori %iota3A_35, %xor3A_58 : vector<16xi32>
    %broadcast_in_dim3A_60 = vector.shape_cast %xor3A_59 : vector<16xi32> to vector<16x1xi32>
    %gather3A_61 = vector.shape_cast %broadcast_in_dim3A_60 : vector<16x1xi32> to vector<16xi32>
    %gather3A_62 = tpu.dynamic_gather %add3A_56[%gather3A_61] in [0] : vector<16xf32>, vector<16xi32> -> vector<16xf32>
    %add3A_63 = arith.addf %add3A_56, %gather3A_62 : vector<16xf32>
    %select_n3A_64 = arith.select %eq3A_8, %add3A_63, %broadcast_in_dim3A_1 : vector<16xi1>, vector<16xf32>
    %eq3A_65 = arith.constant 1 : i32
    %eq3A_66 = vector.broadcast %eq3A_65 : i32 to vector<16xi32>
    %eq3A_67 = arith.cmpi eq, %iota3A, %eq3A_66 : vector<16xi32>
    %iota3A_68 = tpu.iota {dimensions = array<i32: 0>} : vector<16xi32>
    %xor3A_69 = arith.constant 1 : i32
    %xor3A_70 = vector.broadcast %xor3A_69 : i32 to vector<16xi32>
    %xor3A_71 = arith.xori %iota3A_68, %xor3A_70 : vector<16xi32>
    %broadcast_in_dim3A_72 = vector.shape_cast %xor3A_71 : vector<16xi32> to vector<16x1xi32>
    %gather3A_73 = vector.shape_cast %broadcast_in_dim3A_72 : vector<16x1xi32> to vector<16xi32>
    %gather3A_74 = tpu.dynamic_gather %scan3A_5#1[%gather3A_73] in [0] : vector<16xf32>, vector<16xi32> -> vector<16xf32>
    %add3A_75 = arith.addf %scan3A_5#1, %gather3A_74 : vector<16xf32>
    %xor3A_76 = arith.constant 2 : i32
    %xor3A_77 = vector.broadcast %xor3A_76 : i32 to vector<16xi32>
    %xor3A_78 = arith.xori %iota3A_68, %xor3A_77 : vector<16xi32>
    %broadcast_in_dim3A_79 = vector.shape_cast %xor3A_78 : vector<16xi32> to vector<16x1xi32>
    %gather3A_80 = vector.shape_cast %broadcast_in_dim3A_79 : vector<16x1xi32> to vector<16xi32>
    %gather3A_81 = tpu.dynamic_gather %add3A_75[%gather3A_80] in [0] : vector<16xf32>, vector<16xi32> -> vector<16xf32>
    %add3A_82 = arith.addf %add3A_75, %gather3A_81 : vector<16xf32>
    %xor3A_83 = arith.constant 4 : i32
    %xor3A_84 = vector.broadcast %xor3A_83 : i32 to vector<16xi32>
    %xor3A_85 = arith.xori %iota3A_68, %xor3A_84 : vector<16xi32>
    %broadcast_in_dim3A_86 = vector.shape_cast %xor3A_85 : vector<16xi32> to vector<16x1xi32>
    %gather3A_87 = vector.shape_cast %broadcast_in_dim3A_86 : vector<16x1xi32> to vector<16xi32>
    %gather3A_88 = tpu.dynamic_gather %add3A_82[%gather3A_87] in [0] : vector<16xf32>, vector<16xi32> -> vector<16xf32>
    %add3A_89 = arith.addf %add3A_82, %gather3A_88 : vector<16xf32>
    %xor3A_90 = arith.constant 8 : i32
    %xor3A_91 = vector.broadcast %xor3A_90 : i32 to vector<16xi32>
    %xor3A_92 = arith.xori %iota3A_68, %xor3A_91 : vector<16xi32>
    %broadcast_in_dim3A_93 = vector.shape_cast %xor3A_92 : vector<16xi32> to vector<16x1xi32>
    %gather3A_94 = vector.shape_cast %broadcast_in_dim3A_93 : vector<16x1xi32> to vector<16xi32>
    %gather3A_95 = tpu.dynamic_gather %add3A_89[%gather3A_94] in [0] : vector<16xf32>, vector<16xi32> -> vector<16xf32>
    %add3A_96 = arith.addf %add3A_89, %gather3A_95 : vector<16xf32>
    %select_n3A_97 = arith.select %eq3A_67, %add3A_96, %select_n3A : vector<16xi1>, vector<16xf32>
    %iota3A_98 = tpu.iota {dimensions = array<i32: 0>} : vector<16xi32>
    %xor3A_99 = arith.constant 1 : i32
    %xor3A_100 = vector.broadcast %xor3A_99 : i32 to vector<16xi32>
    %xor3A_101 = arith.xori %iota3A_98, %xor3A_100 : vector<16xi32>
    %broadcast_in_dim3A_102 = vector.shape_cast %xor3A_101 : vector<16xi32> to vector<16x1xi32>
    %gather3A_103 = vector.shape_cast %broadcast_in_dim3A_102 : vector<16x1xi32> to vector<16xi32>
    %gather3A_104 = tpu.dynamic_gather %scan3A_5#17[%gather3A_103] in [0] : vector<16xf32>, vector<16xi32> -> vector<16xf32>
    %add3A_105 = arith.addf %scan3A_5#17, %gather3A_104 : vector<16xf32>
    %xor3A_106 = arith.constant 2 : i32
    %xor3A_107 = vector.broadcast %xor3A_106 : i32 to vector<16xi32>
    %xor3A_108 = arith.xori %iota3A_98, %xor3A_107 : vector<16xi32>
    %broadcast_in_dim3A_109 = vector.shape_cast %xor3A_108 : vector<16xi32> to vector<16x1xi32>
    %gather3A_110 = vector.shape_cast %broadcast_in_dim3A_109 : vector<16x1xi32> to vector<16xi32>
    %gather3A_111 = tpu.dynamic_gather %add3A_105[%gather3A_110] in [0] : vector<16xf32>, vector<16xi32> -> vector<16xf32>
    %add3A_112 = arith.addf %add3A_105, %gather3A_111 : vector<16xf32>
    %xor3A_113 = arith.constant 4 : i32
    %xor3A_114 = vector.broadcast %xor3A_113 : i32 to vector<16xi32>
    %xor3A_115 = arith.xori %iota3A_98, %xor3A_114 : vector<16xi32>
    %broadcast_in_dim3A_116 = vector.shape_cast %xor3A_115 : vector<16xi32> to vector<16x1xi32>
    %gather3A_117 = vector.shape_cast %broadcast_in_dim3A_116 : vector<16x1xi32> to vector<16xi32>
    %gather3A_118 = tpu.dynamic_gather %add3A_112[%gather3A_117] in [0] : vector<16xf32>, vector<16xi32> -> vector<16xf32>
    %add3A_119 = arith.addf %add3A_112, %gather3A_118 : vector<16xf32>
    %xor3A_120 = arith.constant 8 : i32
    %xor3A_121 = vector.broadcast %xor3A_120 : i32 to vector<16xi32>
    %xor3A_122 = arith.xori %iota3A_98, %xor3A_121 : vector<16xi32>
    %broadcast_in_dim3A_123 = vector.shape_cast %xor3A_122 : vector<16xi32> to vector<16x1xi32>
    %gather3A_124 = vector.shape_cast %broadcast_in_dim3A_123 : vector<16x1xi32> to vector<16xi32>
    %gather3A_125 = tpu.dynamic_gather %add3A_119[%gather3A_124] in [0] : vector<16xf32>, vector<16xi32> -> vector<16xf32>
    %add3A_126 = arith.addf %add3A_119, %gather3A_125 : vector<16xf32>
    %select_n3A_127 = arith.select %eq3A_67, %add3A_126, %select_n3A_64 : vector<16xi1>, vector<16xf32>
    %eq3A_128 = arith.constant 2 : i32
    %eq3A_129 = vector.broadcast %eq3A_128 : i32 to vector<16xi32>
    %eq3A_130 = arith.cmpi eq, %iota3A, %eq3A_129 : vector<16xi32>
    %iota3A_131 = tpu.iota {dimensions = array<i32: 0>} : vector<16xi32>
    %xor3A_132 = arith.constant 1 : i32
    %xor3A_133 = vector.broadcast %xor3A_132 : i32 to vector<16xi32>
    %xor3A_134 = arith.xori %iota3A_131, %xor3A_133 : vector<16xi32>
    %broadcast_in_dim3A_135 = vector.shape_cast %xor3A_134 : vector<16xi32> to vector<16x1xi32>
    %gather3A_136 = vector.shape_cast %broadcast_in_dim3A_135 : vector<16x1xi32> to vector<16xi32>
    %gather3A_137 = tpu.dynamic_gather %scan3A_5#2[%gather3A_136] in [0] : vector<16xf32>, vector<16xi32> -> vector<16xf32>
    %add3A_138 = arith.addf %scan3A_5#2, %gather3A_137 : vector<16xf32>
    %xor3A_139 = arith.constant 2 : i32
    %xor3A_140 = vector.broadcast %xor3A_139 : i32 to vector<16xi32>
    %xor3A_141 = arith.xori %iota3A_131, %xor3A_140 : vector<16xi32>
    %broadcast_in_dim3A_142 = vector.shape_cast %xor3A_141 : vector<16xi32> to vector<16x1xi32>
    %gather3A_143 = vector.shape_cast %broadcast_in_dim3A_142 : vector<16x1xi32> to vector<16xi32>
    %gather3A_144 = tpu.dynamic_gather %add3A_138[%gather3A_143] in [0] : vector<16xf32>, vector<16xi32> -> vector<16xf32>
    %add3A_145 = arith.addf %add3A_138, %gather3A_144 : vector<16xf32>
    %xor3A_146 = arith.constant 4 : i32
    %xor3A_147 = vector.broadcast %xor3A_146 : i32 to vector<16xi32>
    %xor3A_148 = arith.xori %iota3A_131, %xor3A_147 : vector<16xi32>
    %broadcast_in_dim3A_149 = vector.shape_cast %xor3A_148 : vector<16xi32> to vector<16x1xi32>
    %gather3A_150 = vector.shape_cast %broadcast_in_dim3A_149 : vector<16x1xi32> to vector<16xi32>
    %gather3A_151 = tpu.dynamic_gather %add3A_145[%gather3A_150] in [0] : vector<16xf32>, vector<16xi32> -> vector<16xf32>
    %add3A_152 = arith.addf %add3A_145, %gather3A_151 : vector<16xf32>
    %xor3A_153 = arith.constant 8 : i32
    %xor3A_154 = vector.broadcast %xor3A_153 : i32 to vector<16xi32>
    %xor3A_155 = arith.xori %iota3A_131, %xor3A_154 : vector<16xi32>
    %broadcast_in_dim3A_156 = vector.shape_cast %xor3A_155 : vector<16xi32> to vector<16x1xi32>
    %gather3A_157 = vector.shape_cast %broadcast_in_dim3A_156 : vector<16x1xi32> to vector<16xi32>
    %gather3A_158 = tpu.dynamic_gather %add3A_152[%gather3A_157] in [0] : vector<16xf32>, vector<16xi32> -> vector<16xf32>
    %add3A_159 = arith.addf %add3A_152, %gather3A_158 : vector<16xf32>
    %select_n3A_160 = arith.select %eq3A_130, %add3A_159, %select_n3A_97 : vector<16xi1>, vector<16xf32>
    %iota3A_161 = tpu.iota {dimensions = array<i32: 0>} : vector<16xi32>
    %xor3A_162 = arith.constant 1 : i32
    %xor3A_163 = vector.broadcast %xor3A_162 : i32 to vector<16xi32>
    %xor3A_164 = arith.xori %iota3A_161, %xor3A_163 : vector<16xi32>
    %broadcast_in_dim3A_165 = vector.shape_cast %xor3A_164 : vector<16xi32> to vector<16x1xi32>
    %gather3A_166 = vector.shape_cast %broadcast_in_dim3A_165 : vector<16x1xi32> to vector<16xi32>
    %gather3A_167 = tpu.dynamic_gather %scan3A_5#18[%gather3A_166] in [0] : vector<16xf32>, vector<16xi32> -> vector<16xf32>
    %add3A_168 = arith.addf %scan3A_5#18, %gather3A_167 : vector<16xf32>
    %xor3A_169 = arith.constant 2 : i32
    %xor3A_170 = vector.broadcast %xor3A_169 : i32 to vector<16xi32>
    %xor3A_171 = arith.xori %iota3A_161, %xor3A_170 : vector<16xi32>
    %broadcast_in_dim3A_172 = vector.shape_cast %xor3A_171 : vector<16xi32> to vector<16x1xi32>
    %gather3A_173 = vector.shape_cast %broadcast_in_dim3A_172 : vector<16x1xi32> to vector<16xi32>
    %gather3A_174 = tpu.dynamic_gather %add3A_168[%gather3A_173] in [0] : vector<16xf32>, vector<16xi32> -> vector<16xf32>
    %add3A_175 = arith.addf %add3A_168, %gather3A_174 : vector<16xf32>
    %xor3A_176 = arith.constant 4 : i32
    %xor3A_177 = vector.broadcast %xor3A_176 : i32 to vector<16xi32>
    %xor3A_178 = arith.xori %iota3A_161, %xor3A_177 : vector<16xi32>
    %broadcast_in_dim3A_179 = vector.shape_cast %xor3A_178 : vector<16xi32> to vector<16x1xi32>
    %gather3A_180 = vector.shape_cast %broadcast_in_dim3A_179 : vector<16x1xi32> to vector<16xi32>
    %gather3A_181 = tpu.dynamic_gather %add3A_175[%gather3A_180] in [0] : vector<16xf32>, vector<16xi32> -> vector<16xf32>
    %add3A_182 = arith.addf %add3A_175, %gather3A_181 : vector<16xf32>
    %xor3A_183 = arith.constant 8 : i32
    %xor3A_184 = vector.broadcast %xor3A_183 : i32 to vector<16xi32>
    %xor3A_185 = arith.xori %iota3A_161, %xor3A_184 : vector<16xi32>
    %broadcast_in_dim3A_186 = vector.shape_cast %xor3A_185 : vector<16xi32> to vector<16x1xi32>
    %gather3A_187 = vector.shape_cast %broadcast_in_dim3A_186 : vector<16x1xi32> to vector<16xi32>
    %gather3A_188 = tpu.dynamic_gather %add3A_182[%gather3A_187] in [0] : vector<16xf32>, vector<16xi32> -> vector<16xf32>
    %add3A_189 = arith.addf %add3A_182, %gather3A_188 : vector<16xf32>
    %select_n3A_190 = arith.select %eq3A_130, %add3A_189, %select_n3A_127 : vector<16xi1>, vector<16xf32>
    %eq3A_191 = arith.constant 3 : i32
    %eq3A_192 = vector.broadcast %eq3A_191 : i32 to vector<16xi32>
    %eq3A_193 = arith.cmpi eq, %iota3A, %eq3A_192 : vector<16xi32>
    %iota3A_194 = tpu.iota {dimensions = array<i32: 0>} : vector<16xi32>
    %xor3A_195 = arith.constant 1 : i32
    %xor3A_196 = vector.broadcast %xor3A_195 : i32 to vector<16xi32>
    %xor3A_197 = arith.xori %iota3A_194, %xor3A_196 : vector<16xi32>
    %broadcast_in_dim3A_198 = vector.shape_cast %xor3A_197 : vector<16xi32> to vector<16x1xi32>
    %gather3A_199 = vector.shape_cast %broadcast_in_dim3A_198 : vector<16x1xi32> to vector<16xi32>
    %gather3A_200 = tpu.dynamic_gather %scan3A_5#3[%gather3A_199] in [0] : vector<16xf32>, vector<16xi32> -> vector<16xf32>
    %add3A_201 = arith.addf %scan3A_5#3, %gather3A_200 : vector<16xf32>
    %xor3A_202 = arith.constant 2 : i32
    %xor3A_203 = vector.broadcast %xor3A_202 : i32 to vector<16xi32>
    %xor3A_204 = arith.xori %iota3A_194, %xor3A_203 : vector<16xi32>
    %broadcast_in_dim3A_205 = vector.shape_cast %xor3A_204 : vector<16xi32> to vector<16x1xi32>
    %gather3A_206 = vector.shape_cast %broadcast_in_dim3A_205 : vector<16x1xi32> to vector<16xi32>
    %gather3A_207 = tpu.dynamic_gather %add3A_201[%gather3A_206] in [0] : vector<16xf32>, vector<16xi32> -> vector<16xf32>
    %add3A_208 = arith.addf %add3A_201, %gather3A_207 : vector<16xf32>
    %xor3A_209 = arith.constant 4 : i32
    %xor3A_210 = vector.broadcast %xor3A_209 : i32 to vector<16xi32>
    %xor3A_211 = arith.xori %iota3A_194, %xor3A_210 : vector<16xi32>
    %broadcast_in_dim3A_212 = vector.shape_cast %xor3A_211 : vector<16xi32> to vector<16x1xi32>
    %gather3A_213 = vector.shape_cast %broadcast_in_dim3A_212 : vector<16x1xi32> to vector<16xi32>
    %gather3A_214 = tpu.dynamic_gather %add3A_208[%gather3A_213] in [0] : vector<16xf32>, vector<16xi32> -> vector<16xf32>
    %add3A_215 = arith.addf %add3A_208, %gather3A_214 : vector<16xf32>
    %xor3A_216 = arith.constant 8 : i32
    %xor3A_217 = vector.broadcast %xor3A_216 : i32 to vector<16xi32>
    %xor3A_218 = arith.xori %iota3A_194, %xor3A_217 : vector<16xi32>
    %broadcast_in_dim3A_219 = vector.shape_cast %xor3A_218 : vector<16xi32> to vector<16x1xi32>
    %gather3A_220 = vector.shape_cast %broadcast_in_dim3A_219 : vector<16x1xi32> to vector<16xi32>
    %gather3A_221 = tpu.dynamic_gather %add3A_215[%gather3A_220] in [0] : vector<16xf32>, vector<16xi32> -> vector<16xf32>
    %add3A_222 = arith.addf %add3A_215, %gather3A_221 : vector<16xf32>
    %select_n3A_223 = arith.select %eq3A_193, %add3A_222, %select_n3A_160 : vector<16xi1>, vector<16xf32>
    %iota3A_224 = tpu.iota {dimensions = array<i32: 0>} : vector<16xi32>
    %xor3A_225 = arith.constant 1 : i32
    %xor3A_226 = vector.broadcast %xor3A_225 : i32 to vector<16xi32>
    %xor3A_227 = arith.xori %iota3A_224, %xor3A_226 : vector<16xi32>
    %broadcast_in_dim3A_228 = vector.shape_cast %xor3A_227 : vector<16xi32> to vector<16x1xi32>
    %gather3A_229 = vector.shape_cast %broadcast_in_dim3A_228 : vector<16x1xi32> to vector<16xi32>
    %gather3A_230 = tpu.dynamic_gather %scan3A_5#19[%gather3A_229] in [0] : vector<16xf32>, vector<16xi32> -> vector<16xf32>
    %add3A_231 = arith.addf %scan3A_5#19, %gather3A_230 : vector<16xf32>
    %xor3A_232 = arith.constant 2 : i32
    %xor3A_233 = vector.broadcast %xor3A_232 : i32 to vector<16xi32>
    %xor3A_234 = arith.xori %iota3A_224, %xor3A_233 : vector<16xi32>
    %broadcast_in_dim3A_235 = vector.shape_cast %xor3A_234 : vector<16xi32> to vector<16x1xi32>
    %gather3A_236 = vector.shape_cast %broadcast_in_dim3A_235 : vector<16x1xi32> to vector<16xi32>
    %gather3A_237 = tpu.dynamic_gather %add3A_231[%gather3A_236] in [0] : vector<16xf32>, vector<16xi32> -> vector<16xf32>
    %add3A_238 = arith.addf %add3A_231, %gather3A_237 : vector<16xf32>
    %xor3A_239 = arith.constant 4 : i32
    %xor3A_240 = vector.broadcast %xor3A_239 : i32 to vector<16xi32>
    %xor3A_241 = arith.xori %iota3A_224, %xor3A_240 : vector<16xi32>
    %broadcast_in_dim3A_242 = vector.shape_cast %xor3A_241 : vector<16xi32> to vector<16x1xi32>
    %gather3A_243 = vector.shape_cast %broadcast_in_dim3A_242 : vector<16x1xi32> to vector<16xi32>
    %gather3A_244 = tpu.dynamic_gather %add3A_238[%gather3A_243] in [0] : vector<16xf32>, vector<16xi32> -> vector<16xf32>
    %add3A_245 = arith.addf %add3A_238, %gather3A_244 : vector<16xf32>
    %xor3A_246 = arith.constant 8 : i32
    %xor3A_247 = vector.broadcast %xor3A_246 : i32 to vector<16xi32>
    %xor3A_248 = arith.xori %iota3A_224, %xor3A_247 : vector<16xi32>
    %broadcast_in_dim3A_249 = vector.shape_cast %xor3A_248 : vector<16xi32> to vector<16x1xi32>
    %gather3A_250 = vector.shape_cast %broadcast_in_dim3A_249 : vector<16x1xi32> to vector<16xi32>
    %gather3A_251 = tpu.dynamic_gather %add3A_245[%gather3A_250] in [0] : vector<16xf32>, vector<16xi32> -> vector<16xf32>
    %add3A_252 = arith.addf %add3A_245, %gather3A_251 : vector<16xf32>
    %select_n3A_253 = arith.select %eq3A_193, %add3A_252, %select_n3A_190 : vector<16xi1>, vector<16xf32>
    %eq3A_254 = arith.constant 4 : i32
    %eq3A_255 = vector.broadcast %eq3A_254 : i32 to vector<16xi32>
    %eq3A_256 = arith.cmpi eq, %iota3A, %eq3A_255 : vector<16xi32>
    %iota3A_257 = tpu.iota {dimensions = array<i32: 0>} : vector<16xi32>
    %xor3A_258 = arith.constant 1 : i32
    %xor3A_259 = vector.broadcast %xor3A_258 : i32 to vector<16xi32>
    %xor3A_260 = arith.xori %iota3A_257, %xor3A_259 : vector<16xi32>
    %broadcast_in_dim3A_261 = vector.shape_cast %xor3A_260 : vector<16xi32> to vector<16x1xi32>
    %gather3A_262 = vector.shape_cast %broadcast_in_dim3A_261 : vector<16x1xi32> to vector<16xi32>
    %gather3A_263 = tpu.dynamic_gather %scan3A_5#4[%gather3A_262] in [0] : vector<16xf32>, vector<16xi32> -> vector<16xf32>
    %add3A_264 = arith.addf %scan3A_5#4, %gather3A_263 : vector<16xf32>
    %xor3A_265 = arith.constant 2 : i32
    %xor3A_266 = vector.broadcast %xor3A_265 : i32 to vector<16xi32>
    %xor3A_267 = arith.xori %iota3A_257, %xor3A_266 : vector<16xi32>
    %broadcast_in_dim3A_268 = vector.shape_cast %xor3A_267 : vector<16xi32> to vector<16x1xi32>
    %gather3A_269 = vector.shape_cast %broadcast_in_dim3A_268 : vector<16x1xi32> to vector<16xi32>
    %gather3A_270 = tpu.dynamic_gather %add3A_264[%gather3A_269] in [0] : vector<16xf32>, vector<16xi32> -> vector<16xf32>
    %add3A_271 = arith.addf %add3A_264, %gather3A_270 : vector<16xf32>
    %xor3A_272 = arith.constant 4 : i32
    %xor3A_273 = vector.broadcast %xor3A_272 : i32 to vector<16xi32>
    %xor3A_274 = arith.xori %iota3A_257, %xor3A_273 : vector<16xi32>
    %broadcast_in_dim3A_275 = vector.shape_cast %xor3A_274 : vector<16xi32> to vector<16x1xi32>
    %gather3A_276 = vector.shape_cast %broadcast_in_dim3A_275 : vector<16x1xi32> to vector<16xi32>
    %gather3A_277 = tpu.dynamic_gather %add3A_271[%gather3A_276] in [0] : vector<16xf32>, vector<16xi32> -> vector<16xf32>
    %add3A_278 = arith.addf %add3A_271, %gather3A_277 : vector<16xf32>
    %xor3A_279 = arith.constant 8 : i32
    %xor3A_280 = vector.broadcast %xor3A_279 : i32 to vector<16xi32>
    %xor3A_281 = arith.xori %iota3A_257, %xor3A_280 : vector<16xi32>
    %broadcast_in_dim3A_282 = vector.shape_cast %xor3A_281 : vector<16xi32> to vector<16x1xi32>
    %gather3A_283 = vector.shape_cast %broadcast_in_dim3A_282 : vector<16x1xi32> to vector<16xi32>
    %gather3A_284 = tpu.dynamic_gather %add3A_278[%gather3A_283] in [0] : vector<16xf32>, vector<16xi32> -> vector<16xf32>
    %add3A_285 = arith.addf %add3A_278, %gather3A_284 : vector<16xf32>
    %select_n3A_286 = arith.select %eq3A_256, %add3A_285, %select_n3A_223 : vector<16xi1>, vector<16xf32>
    %iota3A_287 = tpu.iota {dimensions = array<i32: 0>} : vector<16xi32>
    %xor3A_288 = arith.constant 1 : i32
    %xor3A_289 = vector.broadcast %xor3A_288 : i32 to vector<16xi32>
    %xor3A_290 = arith.xori %iota3A_287, %xor3A_289 : vector<16xi32>
    %broadcast_in_dim3A_291 = vector.shape_cast %xor3A_290 : vector<16xi32> to vector<16x1xi32>
    %gather3A_292 = vector.shape_cast %broadcast_in_dim3A_291 : vector<16x1xi32> to vector<16xi32>
    %gather3A_293 = tpu.dynamic_gather %scan3A_5#20[%gather3A_292] in [0] : vector<16xf32>, vector<16xi32> -> vector<16xf32>
    %add3A_294 = arith.addf %scan3A_5#20, %gather3A_293 : vector<16xf32>
    %xor3A_295 = arith.constant 2 : i32
    %xor3A_296 = vector.broadcast %xor3A_295 : i32 to vector<16xi32>
    %xor3A_297 = arith.xori %iota3A_287, %xor3A_296 : vector<16xi32>
    %broadcast_in_dim3A_298 = vector.shape_cast %xor3A_297 : vector<16xi32> to vector<16x1xi32>
    %gather3A_299 = vector.shape_cast %broadcast_in_dim3A_298 : vector<16x1xi32> to vector<16xi32>
    %gather3A_300 = tpu.dynamic_gather %add3A_294[%gather3A_299] in [0] : vector<16xf32>, vector<16xi32> -> vector<16xf32>
    %add3A_301 = arith.addf %add3A_294, %gather3A_300 : vector<16xf32>
    %xor3A_302 = arith.constant 4 : i32
    %xor3A_303 = vector.broadcast %xor3A_302 : i32 to vector<16xi32>
    %xor3A_304 = arith.xori %iota3A_287, %xor3A_303 : vector<16xi32>
    %broadcast_in_dim3A_305 = vector.shape_cast %xor3A_304 : vector<16xi32> to vector<16x1xi32>
    %gather3A_306 = vector.shape_cast %broadcast_in_dim3A_305 : vector<16x1xi32> to vector<16xi32>
    %gather3A_307 = tpu.dynamic_gather %add3A_301[%gather3A_306] in [0] : vector<16xf32>, vector<16xi32> -> vector<16xf32>
    %add3A_308 = arith.addf %add3A_301, %gather3A_307 : vector<16xf32>
    %xor3A_309 = arith.constant 8 : i32
    %xor3A_310 = vector.broadcast %xor3A_309 : i32 to vector<16xi32>
    %xor3A_311 = arith.xori %iota3A_287, %xor3A_310 : vector<16xi32>
    %broadcast_in_dim3A_312 = vector.shape_cast %xor3A_311 : vector<16xi32> to vector<16x1xi32>
    %gather3A_313 = vector.shape_cast %broadcast_in_dim3A_312 : vector<16x1xi32> to vector<16xi32>
    %gather3A_314 = tpu.dynamic_gather %add3A_308[%gather3A_313] in [0] : vector<16xf32>, vector<16xi32> -> vector<16xf32>
    %add3A_315 = arith.addf %add3A_308, %gather3A_314 : vector<16xf32>
    %select_n3A_316 = arith.select %eq3A_256, %add3A_315, %select_n3A_253 : vector<16xi1>, vector<16xf32>
    %eq3A_317 = arith.constant 5 : i32
    %eq3A_318 = vector.broadcast %eq3A_317 : i32 to vector<16xi32>
    %eq3A_319 = arith.cmpi eq, %iota3A, %eq3A_318 : vector<16xi32>
    %iota3A_320 = tpu.iota {dimensions = array<i32: 0>} : vector<16xi32>
    %xor3A_321 = arith.constant 1 : i32
    %xor3A_322 = vector.broadcast %xor3A_321 : i32 to vector<16xi32>
    %xor3A_323 = arith.xori %iota3A_320, %xor3A_322 : vector<16xi32>
    %broadcast_in_dim3A_324 = vector.shape_cast %xor3A_323 : vector<16xi32> to vector<16x1xi32>
    %gather3A_325 = vector.shape_cast %broadcast_in_dim3A_324 : vector<16x1xi32> to vector<16xi32>
    %gather3A_326 = tpu.dynamic_gather %scan3A_5#5[%gather3A_325] in [0] : vector<16xf32>, vector<16xi32> -> vector<16xf32>
    %add3A_327 = arith.addf %scan3A_5#5, %gather3A_326 : vector<16xf32>
    %xor3A_328 = arith.constant 2 : i32
    %xor3A_329 = vector.broadcast %xor3A_328 : i32 to vector<16xi32>
    %xor3A_330 = arith.xori %iota3A_320, %xor3A_329 : vector<16xi32>
    %broadcast_in_dim3A_331 = vector.shape_cast %xor3A_330 : vector<16xi32> to vector<16x1xi32>
    %gather3A_332 = vector.shape_cast %broadcast_in_dim3A_331 : vector<16x1xi32> to vector<16xi32>
    %gather3A_333 = tpu.dynamic_gather %add3A_327[%gather3A_332] in [0] : vector<16xf32>, vector<16xi32> -> vector<16xf32>
    %add3A_334 = arith.addf %add3A_327, %gather3A_333 : vector<16xf32>
    %xor3A_335 = arith.constant 4 : i32
    %xor3A_336 = vector.broadcast %xor3A_335 : i32 to vector<16xi32>
    %xor3A_337 = arith.xori %iota3A_320, %xor3A_336 : vector<16xi32>
    %broadcast_in_dim3A_338 = vector.shape_cast %xor3A_337 : vector<16xi32> to vector<16x1xi32>
    %gather3A_339 = vector.shape_cast %broadcast_in_dim3A_338 : vector<16x1xi32> to vector<16xi32>
    %gather3A_340 = tpu.dynamic_gather %add3A_334[%gather3A_339] in [0] : vector<16xf32>, vector<16xi32> -> vector<16xf32>
    %add3A_341 = arith.addf %add3A_334, %gather3A_340 : vector<16xf32>
    %xor3A_342 = arith.constant 8 : i32
    %xor3A_343 = vector.broadcast %xor3A_342 : i32 to vector<16xi32>
    %xor3A_344 = arith.xori %iota3A_320, %xor3A_343 : vector<16xi32>
    %broadcast_in_dim3A_345 = vector.shape_cast %xor3A_344 : vector<16xi32> to vector<16x1xi32>
    %gather3A_346 = vector.shape_cast %broadcast_in_dim3A_345 : vector<16x1xi32> to vector<16xi32>
    %gather3A_347 = tpu.dynamic_gather %add3A_341[%gather3A_346] in [0] : vector<16xf32>, vector<16xi32> -> vector<16xf32>
    %add3A_348 = arith.addf %add3A_341, %gather3A_347 : vector<16xf32>
    %select_n3A_349 = arith.select %eq3A_319, %add3A_348, %select_n3A_286 : vector<16xi1>, vector<16xf32>
    %iota3A_350 = tpu.iota {dimensions = array<i32: 0>} : vector<16xi32>
    %xor3A_351 = arith.constant 1 : i32
    %xor3A_352 = vector.broadcast %xor3A_351 : i32 to vector<16xi32>
    %xor3A_353 = arith.xori %iota3A_350, %xor3A_352 : vector<16xi32>
    %broadcast_in_dim3A_354 = vector.shape_cast %xor3A_353 : vector<16xi32> to vector<16x1xi32>
    %gather3A_355 = vector.shape_cast %broadcast_in_dim3A_354 : vector<16x1xi32> to vector<16xi32>
    %gather3A_356 = tpu.dynamic_gather %scan3A_5#21[%gather3A_355] in [0] : vector<16xf32>, vector<16xi32> -> vector<16xf32>
    %add3A_357 = arith.addf %scan3A_5#21, %gather3A_356 : vector<16xf32>
    %xor3A_358 = arith.constant 2 : i32
    %xor3A_359 = vector.broadcast %xor3A_358 : i32 to vector<16xi32>
    %xor3A_360 = arith.xori %iota3A_350, %xor3A_359 : vector<16xi32>
    %broadcast_in_dim3A_361 = vector.shape_cast %xor3A_360 : vector<16xi32> to vector<16x1xi32>
    %gather3A_362 = vector.shape_cast %broadcast_in_dim3A_361 : vector<16x1xi32> to vector<16xi32>
    %gather3A_363 = tpu.dynamic_gather %add3A_357[%gather3A_362] in [0] : vector<16xf32>, vector<16xi32> -> vector<16xf32>
    %add3A_364 = arith.addf %add3A_357, %gather3A_363 : vector<16xf32>
    %xor3A_365 = arith.constant 4 : i32
    %xor3A_366 = vector.broadcast %xor3A_365 : i32 to vector<16xi32>
    %xor3A_367 = arith.xori %iota3A_350, %xor3A_366 : vector<16xi32>
    %broadcast_in_dim3A_368 = vector.shape_cast %xor3A_367 : vector<16xi32> to vector<16x1xi32>
    %gather3A_369 = vector.shape_cast %broadcast_in_dim3A_368 : vector<16x1xi32> to vector<16xi32>
    %gather3A_370 = tpu.dynamic_gather %add3A_364[%gather3A_369] in [0] : vector<16xf32>, vector<16xi32> -> vector<16xf32>
    %add3A_371 = arith.addf %add3A_364, %gather3A_370 : vector<16xf32>
    %xor3A_372 = arith.constant 8 : i32
    %xor3A_373 = vector.broadcast %xor3A_372 : i32 to vector<16xi32>
    %xor3A_374 = arith.xori %iota3A_350, %xor3A_373 : vector<16xi32>
    %broadcast_in_dim3A_375 = vector.shape_cast %xor3A_374 : vector<16xi32> to vector<16x1xi32>
    %gather3A_376 = vector.shape_cast %broadcast_in_dim3A_375 : vector<16x1xi32> to vector<16xi32>
    %gather3A_377 = tpu.dynamic_gather %add3A_371[%gather3A_376] in [0] : vector<16xf32>, vector<16xi32> -> vector<16xf32>
    %add3A_378 = arith.addf %add3A_371, %gather3A_377 : vector<16xf32>
    %select_n3A_379 = arith.select %eq3A_319, %add3A_378, %select_n3A_316 : vector<16xi1>, vector<16xf32>
    %eq3A_380 = arith.constant 6 : i32
    %eq3A_381 = vector.broadcast %eq3A_380 : i32 to vector<16xi32>
    %eq3A_382 = arith.cmpi eq, %iota3A, %eq3A_381 : vector<16xi32>
    %iota3A_383 = tpu.iota {dimensions = array<i32: 0>} : vector<16xi32>
    %xor3A_384 = arith.constant 1 : i32
    %xor3A_385 = vector.broadcast %xor3A_384 : i32 to vector<16xi32>
    %xor3A_386 = arith.xori %iota3A_383, %xor3A_385 : vector<16xi32>
    %broadcast_in_dim3A_387 = vector.shape_cast %xor3A_386 : vector<16xi32> to vector<16x1xi32>
    %gather3A_388 = vector.shape_cast %broadcast_in_dim3A_387 : vector<16x1xi32> to vector<16xi32>
    %gather3A_389 = tpu.dynamic_gather %scan3A_5#6[%gather3A_388] in [0] : vector<16xf32>, vector<16xi32> -> vector<16xf32>
    %add3A_390 = arith.addf %scan3A_5#6, %gather3A_389 : vector<16xf32>
    %xor3A_391 = arith.constant 2 : i32
    %xor3A_392 = vector.broadcast %xor3A_391 : i32 to vector<16xi32>
    %xor3A_393 = arith.xori %iota3A_383, %xor3A_392 : vector<16xi32>
    %broadcast_in_dim3A_394 = vector.shape_cast %xor3A_393 : vector<16xi32> to vector<16x1xi32>
    %gather3A_395 = vector.shape_cast %broadcast_in_dim3A_394 : vector<16x1xi32> to vector<16xi32>
    %gather3A_396 = tpu.dynamic_gather %add3A_390[%gather3A_395] in [0] : vector<16xf32>, vector<16xi32> -> vector<16xf32>
    %add3A_397 = arith.addf %add3A_390, %gather3A_396 : vector<16xf32>
    %xor3A_398 = arith.constant 4 : i32
    %xor3A_399 = vector.broadcast %xor3A_398 : i32 to vector<16xi32>
    %xor3A_400 = arith.xori %iota3A_383, %xor3A_399 : vector<16xi32>
    %broadcast_in_dim3A_401 = vector.shape_cast %xor3A_400 : vector<16xi32> to vector<16x1xi32>
    %gather3A_402 = vector.shape_cast %broadcast_in_dim3A_401 : vector<16x1xi32> to vector<16xi32>
    %gather3A_403 = tpu.dynamic_gather %add3A_397[%gather3A_402] in [0] : vector<16xf32>, vector<16xi32> -> vector<16xf32>
    %add3A_404 = arith.addf %add3A_397, %gather3A_403 : vector<16xf32>
    %xor3A_405 = arith.constant 8 : i32
    %xor3A_406 = vector.broadcast %xor3A_405 : i32 to vector<16xi32>
    %xor3A_407 = arith.xori %iota3A_383, %xor3A_406 : vector<16xi32>
    %broadcast_in_dim3A_408 = vector.shape_cast %xor3A_407 : vector<16xi32> to vector<16x1xi32>
    %gather3A_409 = vector.shape_cast %broadcast_in_dim3A_408 : vector<16x1xi32> to vector<16xi32>
    %gather3A_410 = tpu.dynamic_gather %add3A_404[%gather3A_409] in [0] : vector<16xf32>, vector<16xi32> -> vector<16xf32>
    %add3A_411 = arith.addf %add3A_404, %gather3A_410 : vector<16xf32>
    %select_n3A_412 = arith.select %eq3A_382, %add3A_411, %select_n3A_349 : vector<16xi1>, vector<16xf32>
    %iota3A_413 = tpu.iota {dimensions = array<i32: 0>} : vector<16xi32>
    %xor3A_414 = arith.constant 1 : i32
    %xor3A_415 = vector.broadcast %xor3A_414 : i32 to vector<16xi32>
    %xor3A_416 = arith.xori %iota3A_413, %xor3A_415 : vector<16xi32>
    %broadcast_in_dim3A_417 = vector.shape_cast %xor3A_416 : vector<16xi32> to vector<16x1xi32>
    %gather3A_418 = vector.shape_cast %broadcast_in_dim3A_417 : vector<16x1xi32> to vector<16xi32>
    %gather3A_419 = tpu.dynamic_gather %scan3A_5#22[%gather3A_418] in [0] : vector<16xf32>, vector<16xi32> -> vector<16xf32>
    %add3A_420 = arith.addf %scan3A_5#22, %gather3A_419 : vector<16xf32>
    %xor3A_421 = arith.constant 2 : i32
    %xor3A_422 = vector.broadcast %xor3A_421 : i32 to vector<16xi32>
    %xor3A_423 = arith.xori %iota3A_413, %xor3A_422 : vector<16xi32>
    %broadcast_in_dim3A_424 = vector.shape_cast %xor3A_423 : vector<16xi32> to vector<16x1xi32>
    %gather3A_425 = vector.shape_cast %broadcast_in_dim3A_424 : vector<16x1xi32> to vector<16xi32>
    %gather3A_426 = tpu.dynamic_gather %add3A_420[%gather3A_425] in [0] : vector<16xf32>, vector<16xi32> -> vector<16xf32>
    %add3A_427 = arith.addf %add3A_420, %gather3A_426 : vector<16xf32>
    %xor3A_428 = arith.constant 4 : i32
    %xor3A_429 = vector.broadcast %xor3A_428 : i32 to vector<16xi32>
    %xor3A_430 = arith.xori %iota3A_413, %xor3A_429 : vector<16xi32>
    %broadcast_in_dim3A_431 = vector.shape_cast %xor3A_430 : vector<16xi32> to vector<16x1xi32>
    %gather3A_432 = vector.shape_cast %broadcast_in_dim3A_431 : vector<16x1xi32> to vector<16xi32>
    %gather3A_433 = tpu.dynamic_gather %add3A_427[%gather3A_432] in [0] : vector<16xf32>, vector<16xi32> -> vector<16xf32>
    %add3A_434 = arith.addf %add3A_427, %gather3A_433 : vector<16xf32>
    %xor3A_435 = arith.constant 8 : i32
    %xor3A_436 = vector.broadcast %xor3A_435 : i32 to vector<16xi32>
    %xor3A_437 = arith.xori %iota3A_413, %xor3A_436 : vector<16xi32>
    %broadcast_in_dim3A_438 = vector.shape_cast %xor3A_437 : vector<16xi32> to vector<16x1xi32>
    %gather3A_439 = vector.shape_cast %broadcast_in_dim3A_438 : vector<16x1xi32> to vector<16xi32>
    %gather3A_440 = tpu.dynamic_gather %add3A_434[%gather3A_439] in [0] : vector<16xf32>, vector<16xi32> -> vector<16xf32>
    %add3A_441 = arith.addf %add3A_434, %gather3A_440 : vector<16xf32>
    %select_n3A_442 = arith.select %eq3A_382, %add3A_441, %select_n3A_379 : vector<16xi1>, vector<16xf32>
    %eq3A_443 = arith.constant 7 : i32
    %eq3A_444 = vector.broadcast %eq3A_443 : i32 to vector<16xi32>
    %eq3A_445 = arith.cmpi eq, %iota3A, %eq3A_444 : vector<16xi32>
    %iota3A_446 = tpu.iota {dimensions = array<i32: 0>} : vector<16xi32>
    %xor3A_447 = arith.constant 1 : i32
    %xor3A_448 = vector.broadcast %xor3A_447 : i32 to vector<16xi32>
    %xor3A_449 = arith.xori %iota3A_446, %xor3A_448 : vector<16xi32>
    %broadcast_in_dim3A_450 = vector.shape_cast %xor3A_449 : vector<16xi32> to vector<16x1xi32>
    %gather3A_451 = vector.shape_cast %broadcast_in_dim3A_450 : vector<16x1xi32> to vector<16xi32>
    %gather3A_452 = tpu.dynamic_gather %scan3A_5#7[%gather3A_451] in [0] : vector<16xf32>, vector<16xi32> -> vector<16xf32>
    %add3A_453 = arith.addf %scan3A_5#7, %gather3A_452 : vector<16xf32>
    %xor3A_454 = arith.constant 2 : i32
    %xor3A_455 = vector.broadcast %xor3A_454 : i32 to vector<16xi32>
    %xor3A_456 = arith.xori %iota3A_446, %xor3A_455 : vector<16xi32>
    %broadcast_in_dim3A_457 = vector.shape_cast %xor3A_456 : vector<16xi32> to vector<16x1xi32>
    %gather3A_458 = vector.shape_cast %broadcast_in_dim3A_457 : vector<16x1xi32> to vector<16xi32>
    %gather3A_459 = tpu.dynamic_gather %add3A_453[%gather3A_458] in [0] : vector<16xf32>, vector<16xi32> -> vector<16xf32>
    %add3A_460 = arith.addf %add3A_453, %gather3A_459 : vector<16xf32>
    %xor3A_461 = arith.constant 4 : i32
    %xor3A_462 = vector.broadcast %xor3A_461 : i32 to vector<16xi32>
    %xor3A_463 = arith.xori %iota3A_446, %xor3A_462 : vector<16xi32>
    %broadcast_in_dim3A_464 = vector.shape_cast %xor3A_463 : vector<16xi32> to vector<16x1xi32>
    %gather3A_465 = vector.shape_cast %broadcast_in_dim3A_464 : vector<16x1xi32> to vector<16xi32>
    %gather3A_466 = tpu.dynamic_gather %add3A_460[%gather3A_465] in [0] : vector<16xf32>, vector<16xi32> -> vector<16xf32>
    %add3A_467 = arith.addf %add3A_460, %gather3A_466 : vector<16xf32>
    %xor3A_468 = arith.constant 8 : i32
    %xor3A_469 = vector.broadcast %xor3A_468 : i32 to vector<16xi32>
    %xor3A_470 = arith.xori %iota3A_446, %xor3A_469 : vector<16xi32>
    %broadcast_in_dim3A_471 = vector.shape_cast %xor3A_470 : vector<16xi32> to vector<16x1xi32>
    %gather3A_472 = vector.shape_cast %broadcast_in_dim3A_471 : vector<16x1xi32> to vector<16xi32>
    %gather3A_473 = tpu.dynamic_gather %add3A_467[%gather3A_472] in [0] : vector<16xf32>, vector<16xi32> -> vector<16xf32>
    %add3A_474 = arith.addf %add3A_467, %gather3A_473 : vector<16xf32>
    %select_n3A_475 = arith.select %eq3A_445, %add3A_474, %select_n3A_412 : vector<16xi1>, vector<16xf32>
    %iota3A_476 = tpu.iota {dimensions = array<i32: 0>} : vector<16xi32>
    %xor3A_477 = arith.constant 1 : i32
    %xor3A_478 = vector.broadcast %xor3A_477 : i32 to vector<16xi32>
    %xor3A_479 = arith.xori %iota3A_476, %xor3A_478 : vector<16xi32>
    %broadcast_in_dim3A_480 = vector.shape_cast %xor3A_479 : vector<16xi32> to vector<16x1xi32>
    %gather3A_481 = vector.shape_cast %broadcast_in_dim3A_480 : vector<16x1xi32> to vector<16xi32>
    %gather3A_482 = tpu.dynamic_gather %scan3A_5#23[%gather3A_481] in [0] : vector<16xf32>, vector<16xi32> -> vector<16xf32>
    %add3A_483 = arith.addf %scan3A_5#23, %gather3A_482 : vector<16xf32>
    %xor3A_484 = arith.constant 2 : i32
    %xor3A_485 = vector.broadcast %xor3A_484 : i32 to vector<16xi32>
    %xor3A_486 = arith.xori %iota3A_476, %xor3A_485 : vector<16xi32>
    %broadcast_in_dim3A_487 = vector.shape_cast %xor3A_486 : vector<16xi32> to vector<16x1xi32>
    %gather3A_488 = vector.shape_cast %broadcast_in_dim3A_487 : vector<16x1xi32> to vector<16xi32>
    %gather3A_489 = tpu.dynamic_gather %add3A_483[%gather3A_488] in [0] : vector<16xf32>, vector<16xi32> -> vector<16xf32>
    %add3A_490 = arith.addf %add3A_483, %gather3A_489 : vector<16xf32>
    %xor3A_491 = arith.constant 4 : i32
    %xor3A_492 = vector.broadcast %xor3A_491 : i32 to vector<16xi32>
    %xor3A_493 = arith.xori %iota3A_476, %xor3A_492 : vector<16xi32>
    %broadcast_in_dim3A_494 = vector.shape_cast %xor3A_493 : vector<16xi32> to vector<16x1xi32>
    %gather3A_495 = vector.shape_cast %broadcast_in_dim3A_494 : vector<16x1xi32> to vector<16xi32>
    %gather3A_496 = tpu.dynamic_gather %add3A_490[%gather3A_495] in [0] : vector<16xf32>, vector<16xi32> -> vector<16xf32>
    %add3A_497 = arith.addf %add3A_490, %gather3A_496 : vector<16xf32>
    %xor3A_498 = arith.constant 8 : i32
    %xor3A_499 = vector.broadcast %xor3A_498 : i32 to vector<16xi32>
    %xor3A_500 = arith.xori %iota3A_476, %xor3A_499 : vector<16xi32>
    %broadcast_in_dim3A_501 = vector.shape_cast %xor3A_500 : vector<16xi32> to vector<16x1xi32>
    %gather3A_502 = vector.shape_cast %broadcast_in_dim3A_501 : vector<16x1xi32> to vector<16xi32>
    %gather3A_503 = tpu.dynamic_gather %add3A_497[%gather3A_502] in [0] : vector<16xf32>, vector<16xi32> -> vector<16xf32>
    %add3A_504 = arith.addf %add3A_497, %gather3A_503 : vector<16xf32>
    %select_n3A_505 = arith.select %eq3A_445, %add3A_504, %select_n3A_442 : vector<16xi1>, vector<16xf32>
    %eq3A_506 = arith.constant 8 : i32
    %eq3A_507 = vector.broadcast %eq3A_506 : i32 to vector<16xi32>
    %eq3A_508 = arith.cmpi eq, %iota3A, %eq3A_507 : vector<16xi32>
    %iota3A_509 = tpu.iota {dimensions = array<i32: 0>} : vector<16xi32>
    %xor3A_510 = arith.constant 1 : i32
    %xor3A_511 = vector.broadcast %xor3A_510 : i32 to vector<16xi32>
    %xor3A_512 = arith.xori %iota3A_509, %xor3A_511 : vector<16xi32>
    %broadcast_in_dim3A_513 = vector.shape_cast %xor3A_512 : vector<16xi32> to vector<16x1xi32>
    %gather3A_514 = vector.shape_cast %broadcast_in_dim3A_513 : vector<16x1xi32> to vector<16xi32>
    %gather3A_515 = tpu.dynamic_gather %scan3A_5#8[%gather3A_514] in [0] : vector<16xf32>, vector<16xi32> -> vector<16xf32>
    %add3A_516 = arith.addf %scan3A_5#8, %gather3A_515 : vector<16xf32>
    %xor3A_517 = arith.constant 2 : i32
    %xor3A_518 = vector.broadcast %xor3A_517 : i32 to vector<16xi32>
    %xor3A_519 = arith.xori %iota3A_509, %xor3A_518 : vector<16xi32>
    %broadcast_in_dim3A_520 = vector.shape_cast %xor3A_519 : vector<16xi32> to vector<16x1xi32>
    %gather3A_521 = vector.shape_cast %broadcast_in_dim3A_520 : vector<16x1xi32> to vector<16xi32>
    %gather3A_522 = tpu.dynamic_gather %add3A_516[%gather3A_521] in [0] : vector<16xf32>, vector<16xi32> -> vector<16xf32>
    %add3A_523 = arith.addf %add3A_516, %gather3A_522 : vector<16xf32>
    %xor3A_524 = arith.constant 4 : i32
    %xor3A_525 = vector.broadcast %xor3A_524 : i32 to vector<16xi32>
    %xor3A_526 = arith.xori %iota3A_509, %xor3A_525 : vector<16xi32>
    %broadcast_in_dim3A_527 = vector.shape_cast %xor3A_526 : vector<16xi32> to vector<16x1xi32>
    %gather3A_528 = vector.shape_cast %broadcast_in_dim3A_527 : vector<16x1xi32> to vector<16xi32>
    %gather3A_529 = tpu.dynamic_gather %add3A_523[%gather3A_528] in [0] : vector<16xf32>, vector<16xi32> -> vector<16xf32>
    %add3A_530 = arith.addf %add3A_523, %gather3A_529 : vector<16xf32>
    %xor3A_531 = arith.constant 8 : i32
    %xor3A_532 = vector.broadcast %xor3A_531 : i32 to vector<16xi32>
    %xor3A_533 = arith.xori %iota3A_509, %xor3A_532 : vector<16xi32>
    %broadcast_in_dim3A_534 = vector.shape_cast %xor3A_533 : vector<16xi32> to vector<16x1xi32>
    %gather3A_535 = vector.shape_cast %broadcast_in_dim3A_534 : vector<16x1xi32> to vector<16xi32>
    %gather3A_536 = tpu.dynamic_gather %add3A_530[%gather3A_535] in [0] : vector<16xf32>, vector<16xi32> -> vector<16xf32>
    %add3A_537 = arith.addf %add3A_530, %gather3A_536 : vector<16xf32>
    %select_n3A_538 = arith.select %eq3A_508, %add3A_537, %select_n3A_475 : vector<16xi1>, vector<16xf32>
    %iota3A_539 = tpu.iota {dimensions = array<i32: 0>} : vector<16xi32>
    %xor3A_540 = arith.constant 1 : i32
    %xor3A_541 = vector.broadcast %xor3A_540 : i32 to vector<16xi32>
    %xor3A_542 = arith.xori %iota3A_539, %xor3A_541 : vector<16xi32>
    %broadcast_in_dim3A_543 = vector.shape_cast %xor3A_542 : vector<16xi32> to vector<16x1xi32>
    %gather3A_544 = vector.shape_cast %broadcast_in_dim3A_543 : vector<16x1xi32> to vector<16xi32>
    %gather3A_545 = tpu.dynamic_gather %scan3A_5#24[%gather3A_544] in [0] : vector<16xf32>, vector<16xi32> -> vector<16xf32>
    %add3A_546 = arith.addf %scan3A_5#24, %gather3A_545 : vector<16xf32>
    %xor3A_547 = arith.constant 2 : i32
    %xor3A_548 = vector.broadcast %xor3A_547 : i32 to vector<16xi32>
    %xor3A_549 = arith.xori %iota3A_539, %xor3A_548 : vector<16xi32>
    %broadcast_in_dim3A_550 = vector.shape_cast %xor3A_549 : vector<16xi32> to vector<16x1xi32>
    %gather3A_551 = vector.shape_cast %broadcast_in_dim3A_550 : vector<16x1xi32> to vector<16xi32>
    %gather3A_552 = tpu.dynamic_gather %add3A_546[%gather3A_551] in [0] : vector<16xf32>, vector<16xi32> -> vector<16xf32>
    %add3A_553 = arith.addf %add3A_546, %gather3A_552 : vector<16xf32>
    %xor3A_554 = arith.constant 4 : i32
    %xor3A_555 = vector.broadcast %xor3A_554 : i32 to vector<16xi32>
    %xor3A_556 = arith.xori %iota3A_539, %xor3A_555 : vector<16xi32>
    %broadcast_in_dim3A_557 = vector.shape_cast %xor3A_556 : vector<16xi32> to vector<16x1xi32>
    %gather3A_558 = vector.shape_cast %broadcast_in_dim3A_557 : vector<16x1xi32> to vector<16xi32>
    %gather3A_559 = tpu.dynamic_gather %add3A_553[%gather3A_558] in [0] : vector<16xf32>, vector<16xi32> -> vector<16xf32>
    %add3A_560 = arith.addf %add3A_553, %gather3A_559 : vector<16xf32>
    %xor3A_561 = arith.constant 8 : i32
    %xor3A_562 = vector.broadcast %xor3A_561 : i32 to vector<16xi32>
    %xor3A_563 = arith.xori %iota3A_539, %xor3A_562 : vector<16xi32>
    %broadcast_in_dim3A_564 = vector.shape_cast %xor3A_563 : vector<16xi32> to vector<16x1xi32>
    %gather3A_565 = vector.shape_cast %broadcast_in_dim3A_564 : vector<16x1xi32> to vector<16xi32>
    %gather3A_566 = tpu.dynamic_gather %add3A_560[%gather3A_565] in [0] : vector<16xf32>, vector<16xi32> -> vector<16xf32>
    %add3A_567 = arith.addf %add3A_560, %gather3A_566 : vector<16xf32>
    %select_n3A_568 = arith.select %eq3A_508, %add3A_567, %select_n3A_505 : vector<16xi1>, vector<16xf32>
    %eq3A_569 = arith.constant 9 : i32
    %eq3A_570 = vector.broadcast %eq3A_569 : i32 to vector<16xi32>
    %eq3A_571 = arith.cmpi eq, %iota3A, %eq3A_570 : vector<16xi32>
    %iota3A_572 = tpu.iota {dimensions = array<i32: 0>} : vector<16xi32>
    %xor3A_573 = arith.constant 1 : i32
    %xor3A_574 = vector.broadcast %xor3A_573 : i32 to vector<16xi32>
    %xor3A_575 = arith.xori %iota3A_572, %xor3A_574 : vector<16xi32>
    %broadcast_in_dim3A_576 = vector.shape_cast %xor3A_575 : vector<16xi32> to vector<16x1xi32>
    %gather3A_577 = vector.shape_cast %broadcast_in_dim3A_576 : vector<16x1xi32> to vector<16xi32>
    %gather3A_578 = tpu.dynamic_gather %scan3A_5#9[%gather3A_577] in [0] : vector<16xf32>, vector<16xi32> -> vector<16xf32>
    %add3A_579 = arith.addf %scan3A_5#9, %gather3A_578 : vector<16xf32>
    %xor3A_580 = arith.constant 2 : i32
    %xor3A_581 = vector.broadcast %xor3A_580 : i32 to vector<16xi32>
    %xor3A_582 = arith.xori %iota3A_572, %xor3A_581 : vector<16xi32>
    %broadcast_in_dim3A_583 = vector.shape_cast %xor3A_582 : vector<16xi32> to vector<16x1xi32>
    %gather3A_584 = vector.shape_cast %broadcast_in_dim3A_583 : vector<16x1xi32> to vector<16xi32>
    %gather3A_585 = tpu.dynamic_gather %add3A_579[%gather3A_584] in [0] : vector<16xf32>, vector<16xi32> -> vector<16xf32>
    %add3A_586 = arith.addf %add3A_579, %gather3A_585 : vector<16xf32>
    %xor3A_587 = arith.constant 4 : i32
    %xor3A_588 = vector.broadcast %xor3A_587 : i32 to vector<16xi32>
    %xor3A_589 = arith.xori %iota3A_572, %xor3A_588 : vector<16xi32>
    %broadcast_in_dim3A_590 = vector.shape_cast %xor3A_589 : vector<16xi32> to vector<16x1xi32>
    %gather3A_591 = vector.shape_cast %broadcast_in_dim3A_590 : vector<16x1xi32> to vector<16xi32>
    %gather3A_592 = tpu.dynamic_gather %add3A_586[%gather3A_591] in [0] : vector<16xf32>, vector<16xi32> -> vector<16xf32>
    %add3A_593 = arith.addf %add3A_586, %gather3A_592 : vector<16xf32>
    %xor3A_594 = arith.constant 8 : i32
    %xor3A_595 = vector.broadcast %xor3A_594 : i32 to vector<16xi32>
    %xor3A_596 = arith.xori %iota3A_572, %xor3A_595 : vector<16xi32>
    %broadcast_in_dim3A_597 = vector.shape_cast %xor3A_596 : vector<16xi32> to vector<16x1xi32>
    %gather3A_598 = vector.shape_cast %broadcast_in_dim3A_597 : vector<16x1xi32> to vector<16xi32>
    %gather3A_599 = tpu.dynamic_gather %add3A_593[%gather3A_598] in [0] : vector<16xf32>, vector<16xi32> -> vector<16xf32>
    %add3A_600 = arith.addf %add3A_593, %gather3A_599 : vector<16xf32>
    %select_n3A_601 = arith.select %eq3A_571, %add3A_600, %select_n3A_538 : vector<16xi1>, vector<16xf32>
    %iota3A_602 = tpu.iota {dimensions = array<i32: 0>} : vector<16xi32>
    %xor3A_603 = arith.constant 1 : i32
    %xor3A_604 = vector.broadcast %xor3A_603 : i32 to vector<16xi32>
    %xor3A_605 = arith.xori %iota3A_602, %xor3A_604 : vector<16xi32>
    %broadcast_in_dim3A_606 = vector.shape_cast %xor3A_605 : vector<16xi32> to vector<16x1xi32>
    %gather3A_607 = vector.shape_cast %broadcast_in_dim3A_606 : vector<16x1xi32> to vector<16xi32>
    %gather3A_608 = tpu.dynamic_gather %scan3A_5#25[%gather3A_607] in [0] : vector<16xf32>, vector<16xi32> -> vector<16xf32>
    %add3A_609 = arith.addf %scan3A_5#25, %gather3A_608 : vector<16xf32>
    %xor3A_610 = arith.constant 2 : i32
    %xor3A_611 = vector.broadcast %xor3A_610 : i32 to vector<16xi32>
    %xor3A_612 = arith.xori %iota3A_602, %xor3A_611 : vector<16xi32>
    %broadcast_in_dim3A_613 = vector.shape_cast %xor3A_612 : vector<16xi32> to vector<16x1xi32>
    %gather3A_614 = vector.shape_cast %broadcast_in_dim3A_613 : vector<16x1xi32> to vector<16xi32>
    %gather3A_615 = tpu.dynamic_gather %add3A_609[%gather3A_614] in [0] : vector<16xf32>, vector<16xi32> -> vector<16xf32>
    %add3A_616 = arith.addf %add3A_609, %gather3A_615 : vector<16xf32>
    %xor3A_617 = arith.constant 4 : i32
    %xor3A_618 = vector.broadcast %xor3A_617 : i32 to vector<16xi32>
    %xor3A_619 = arith.xori %iota3A_602, %xor3A_618 : vector<16xi32>
    %broadcast_in_dim3A_620 = vector.shape_cast %xor3A_619 : vector<16xi32> to vector<16x1xi32>
    %gather3A_621 = vector.shape_cast %broadcast_in_dim3A_620 : vector<16x1xi32> to vector<16xi32>
    %gather3A_622 = tpu.dynamic_gather %add3A_616[%gather3A_621] in [0] : vector<16xf32>, vector<16xi32> -> vector<16xf32>
    %add3A_623 = arith.addf %add3A_616, %gather3A_622 : vector<16xf32>
    %xor3A_624 = arith.constant 8 : i32
    %xor3A_625 = vector.broadcast %xor3A_624 : i32 to vector<16xi32>
    %xor3A_626 = arith.xori %iota3A_602, %xor3A_625 : vector<16xi32>
    %broadcast_in_dim3A_627 = vector.shape_cast %xor3A_626 : vector<16xi32> to vector<16x1xi32>
    %gather3A_628 = vector.shape_cast %broadcast_in_dim3A_627 : vector<16x1xi32> to vector<16xi32>
    %gather3A_629 = tpu.dynamic_gather %add3A_623[%gather3A_628] in [0] : vector<16xf32>, vector<16xi32> -> vector<16xf32>
    %add3A_630 = arith.addf %add3A_623, %gather3A_629 : vector<16xf32>
    %select_n3A_631 = arith.select %eq3A_571, %add3A_630, %select_n3A_568 : vector<16xi1>, vector<16xf32>
    %eq3A_632 = arith.constant 10 : i32
    %eq3A_633 = vector.broadcast %eq3A_632 : i32 to vector<16xi32>
    %eq3A_634 = arith.cmpi eq, %iota3A, %eq3A_633 : vector<16xi32>
    %iota3A_635 = tpu.iota {dimensions = array<i32: 0>} : vector<16xi32>
    %xor3A_636 = arith.constant 1 : i32
    %xor3A_637 = vector.broadcast %xor3A_636 : i32 to vector<16xi32>
    %xor3A_638 = arith.xori %iota3A_635, %xor3A_637 : vector<16xi32>
    %broadcast_in_dim3A_639 = vector.shape_cast %xor3A_638 : vector<16xi32> to vector<16x1xi32>
    %gather3A_640 = vector.shape_cast %broadcast_in_dim3A_639 : vector<16x1xi32> to vector<16xi32>
    %gather3A_641 = tpu.dynamic_gather %scan3A_5#10[%gather3A_640] in [0] : vector<16xf32>, vector<16xi32> -> vector<16xf32>
    %add3A_642 = arith.addf %scan3A_5#10, %gather3A_641 : vector<16xf32>
    %xor3A_643 = arith.constant 2 : i32
    %xor3A_644 = vector.broadcast %xor3A_643 : i32 to vector<16xi32>
    %xor3A_645 = arith.xori %iota3A_635, %xor3A_644 : vector<16xi32>
    %broadcast_in_dim3A_646 = vector.shape_cast %xor3A_645 : vector<16xi32> to vector<16x1xi32>
    %gather3A_647 = vector.shape_cast %broadcast_in_dim3A_646 : vector<16x1xi32> to vector<16xi32>
    %gather3A_648 = tpu.dynamic_gather %add3A_642[%gather3A_647] in [0] : vector<16xf32>, vector<16xi32> -> vector<16xf32>
    %add3A_649 = arith.addf %add3A_642, %gather3A_648 : vector<16xf32>
    %xor3A_650 = arith.constant 4 : i32
    %xor3A_651 = vector.broadcast %xor3A_650 : i32 to vector<16xi32>
    %xor3A_652 = arith.xori %iota3A_635, %xor3A_651 : vector<16xi32>
    %broadcast_in_dim3A_653 = vector.shape_cast %xor3A_652 : vector<16xi32> to vector<16x1xi32>
    %gather3A_654 = vector.shape_cast %broadcast_in_dim3A_653 : vector<16x1xi32> to vector<16xi32>
    %gather3A_655 = tpu.dynamic_gather %add3A_649[%gather3A_654] in [0] : vector<16xf32>, vector<16xi32> -> vector<16xf32>
    %add3A_656 = arith.addf %add3A_649, %gather3A_655 : vector<16xf32>
    %xor3A_657 = arith.constant 8 : i32
    %xor3A_658 = vector.broadcast %xor3A_657 : i32 to vector<16xi32>
    %xor3A_659 = arith.xori %iota3A_635, %xor3A_658 : vector<16xi32>
    %broadcast_in_dim3A_660 = vector.shape_cast %xor3A_659 : vector<16xi32> to vector<16x1xi32>
    %gather3A_661 = vector.shape_cast %broadcast_in_dim3A_660 : vector<16x1xi32> to vector<16xi32>
    %gather3A_662 = tpu.dynamic_gather %add3A_656[%gather3A_661] in [0] : vector<16xf32>, vector<16xi32> -> vector<16xf32>
    %add3A_663 = arith.addf %add3A_656, %gather3A_662 : vector<16xf32>
    %select_n3A_664 = arith.select %eq3A_634, %add3A_663, %select_n3A_601 : vector<16xi1>, vector<16xf32>
    %iota3A_665 = tpu.iota {dimensions = array<i32: 0>} : vector<16xi32>
    %xor3A_666 = arith.constant 1 : i32
    %xor3A_667 = vector.broadcast %xor3A_666 : i32 to vector<16xi32>
    %xor3A_668 = arith.xori %iota3A_665, %xor3A_667 : vector<16xi32>
    %broadcast_in_dim3A_669 = vector.shape_cast %xor3A_668 : vector<16xi32> to vector<16x1xi32>
    %gather3A_670 = vector.shape_cast %broadcast_in_dim3A_669 : vector<16x1xi32> to vector<16xi32>
    %gather3A_671 = tpu.dynamic_gather %scan3A_5#26[%gather3A_670] in [0] : vector<16xf32>, vector<16xi32> -> vector<16xf32>
    %add3A_672 = arith.addf %scan3A_5#26, %gather3A_671 : vector<16xf32>
    %xor3A_673 = arith.constant 2 : i32
    %xor3A_674 = vector.broadcast %xor3A_673 : i32 to vector<16xi32>
    %xor3A_675 = arith.xori %iota3A_665, %xor3A_674 : vector<16xi32>
    %broadcast_in_dim3A_676 = vector.shape_cast %xor3A_675 : vector<16xi32> to vector<16x1xi32>
    %gather3A_677 = vector.shape_cast %broadcast_in_dim3A_676 : vector<16x1xi32> to vector<16xi32>
    %gather3A_678 = tpu.dynamic_gather %add3A_672[%gather3A_677] in [0] : vector<16xf32>, vector<16xi32> -> vector<16xf32>
    %add3A_679 = arith.addf %add3A_672, %gather3A_678 : vector<16xf32>
    %xor3A_680 = arith.constant 4 : i32
    %xor3A_681 = vector.broadcast %xor3A_680 : i32 to vector<16xi32>
    %xor3A_682 = arith.xori %iota3A_665, %xor3A_681 : vector<16xi32>
    %broadcast_in_dim3A_683 = vector.shape_cast %xor3A_682 : vector<16xi32> to vector<16x1xi32>
    %gather3A_684 = vector.shape_cast %broadcast_in_dim3A_683 : vector<16x1xi32> to vector<16xi32>
    %gather3A_685 = tpu.dynamic_gather %add3A_679[%gather3A_684] in [0] : vector<16xf32>, vector<16xi32> -> vector<16xf32>
    %add3A_686 = arith.addf %add3A_679, %gather3A_685 : vector<16xf32>
    %xor3A_687 = arith.constant 8 : i32
    %xor3A_688 = vector.broadcast %xor3A_687 : i32 to vector<16xi32>
    %xor3A_689 = arith.xori %iota3A_665, %xor3A_688 : vector<16xi32>
    %broadcast_in_dim3A_690 = vector.shape_cast %xor3A_689 : vector<16xi32> to vector<16x1xi32>
    %gather3A_691 = vector.shape_cast %broadcast_in_dim3A_690 : vector<16x1xi32> to vector<16xi32>
    %gather3A_692 = tpu.dynamic_gather %add3A_686[%gather3A_691] in [0] : vector<16xf32>, vector<16xi32> -> vector<16xf32>
    %add3A_693 = arith.addf %add3A_686, %gather3A_692 : vector<16xf32>
    %select_n3A_694 = arith.select %eq3A_634, %add3A_693, %select_n3A_631 : vector<16xi1>, vector<16xf32>
    %eq3A_695 = arith.constant 11 : i32
    %eq3A_696 = vector.broadcast %eq3A_695 : i32 to vector<16xi32>
    %eq3A_697 = arith.cmpi eq, %iota3A, %eq3A_696 : vector<16xi32>
    %iota3A_698 = tpu.iota {dimensions = array<i32: 0>} : vector<16xi32>
    %xor3A_699 = arith.constant 1 : i32
    %xor3A_700 = vector.broadcast %xor3A_699 : i32 to vector<16xi32>
    %xor3A_701 = arith.xori %iota3A_698, %xor3A_700 : vector<16xi32>
    %broadcast_in_dim3A_702 = vector.shape_cast %xor3A_701 : vector<16xi32> to vector<16x1xi32>
    %gather3A_703 = vector.shape_cast %broadcast_in_dim3A_702 : vector<16x1xi32> to vector<16xi32>
    %gather3A_704 = tpu.dynamic_gather %scan3A_5#11[%gather3A_703] in [0] : vector<16xf32>, vector<16xi32> -> vector<16xf32>
    %add3A_705 = arith.addf %scan3A_5#11, %gather3A_704 : vector<16xf32>
    %xor3A_706 = arith.constant 2 : i32
    %xor3A_707 = vector.broadcast %xor3A_706 : i32 to vector<16xi32>
    %xor3A_708 = arith.xori %iota3A_698, %xor3A_707 : vector<16xi32>
    %broadcast_in_dim3A_709 = vector.shape_cast %xor3A_708 : vector<16xi32> to vector<16x1xi32>
    %gather3A_710 = vector.shape_cast %broadcast_in_dim3A_709 : vector<16x1xi32> to vector<16xi32>
    %gather3A_711 = tpu.dynamic_gather %add3A_705[%gather3A_710] in [0] : vector<16xf32>, vector<16xi32> -> vector<16xf32>
    %add3A_712 = arith.addf %add3A_705, %gather3A_711 : vector<16xf32>
    %xor3A_713 = arith.constant 4 : i32
    %xor3A_714 = vector.broadcast %xor3A_713 : i32 to vector<16xi32>
    %xor3A_715 = arith.xori %iota3A_698, %xor3A_714 : vector<16xi32>
    %broadcast_in_dim3A_716 = vector.shape_cast %xor3A_715 : vector<16xi32> to vector<16x1xi32>
    %gather3A_717 = vector.shape_cast %broadcast_in_dim3A_716 : vector<16x1xi32> to vector<16xi32>
    %gather3A_718 = tpu.dynamic_gather %add3A_712[%gather3A_717] in [0] : vector<16xf32>, vector<16xi32> -> vector<16xf32>
    %add3A_719 = arith.addf %add3A_712, %gather3A_718 : vector<16xf32>
    %xor3A_720 = arith.constant 8 : i32
    %xor3A_721 = vector.broadcast %xor3A_720 : i32 to vector<16xi32>
    %xor3A_722 = arith.xori %iota3A_698, %xor3A_721 : vector<16xi32>
    %broadcast_in_dim3A_723 = vector.shape_cast %xor3A_722 : vector<16xi32> to vector<16x1xi32>
    %gather3A_724 = vector.shape_cast %broadcast_in_dim3A_723 : vector<16x1xi32> to vector<16xi32>
    %gather3A_725 = tpu.dynamic_gather %add3A_719[%gather3A_724] in [0] : vector<16xf32>, vector<16xi32> -> vector<16xf32>
    %add3A_726 = arith.addf %add3A_719, %gather3A_725 : vector<16xf32>
    %select_n3A_727 = arith.select %eq3A_697, %add3A_726, %select_n3A_664 : vector<16xi1>, vector<16xf32>
    %iota3A_728 = tpu.iota {dimensions = array<i32: 0>} : vector<16xi32>
    %xor3A_729 = arith.constant 1 : i32
    %xor3A_730 = vector.broadcast %xor3A_729 : i32 to vector<16xi32>
    %xor3A_731 = arith.xori %iota3A_728, %xor3A_730 : vector<16xi32>
    %broadcast_in_dim3A_732 = vector.shape_cast %xor3A_731 : vector<16xi32> to vector<16x1xi32>
    %gather3A_733 = vector.shape_cast %broadcast_in_dim3A_732 : vector<16x1xi32> to vector<16xi32>
    %gather3A_734 = tpu.dynamic_gather %scan3A_5#27[%gather3A_733] in [0] : vector<16xf32>, vector<16xi32> -> vector<16xf32>
    %add3A_735 = arith.addf %scan3A_5#27, %gather3A_734 : vector<16xf32>
    %xor3A_736 = arith.constant 2 : i32
    %xor3A_737 = vector.broadcast %xor3A_736 : i32 to vector<16xi32>
    %xor3A_738 = arith.xori %iota3A_728, %xor3A_737 : vector<16xi32>
    %broadcast_in_dim3A_739 = vector.shape_cast %xor3A_738 : vector<16xi32> to vector<16x1xi32>
    %gather3A_740 = vector.shape_cast %broadcast_in_dim3A_739 : vector<16x1xi32> to vector<16xi32>
    %gather3A_741 = tpu.dynamic_gather %add3A_735[%gather3A_740] in [0] : vector<16xf32>, vector<16xi32> -> vector<16xf32>
    %add3A_742 = arith.addf %add3A_735, %gather3A_741 : vector<16xf32>
    %xor3A_743 = arith.constant 4 : i32
    %xor3A_744 = vector.broadcast %xor3A_743 : i32 to vector<16xi32>
    %xor3A_745 = arith.xori %iota3A_728, %xor3A_744 : vector<16xi32>
    %broadcast_in_dim3A_746 = vector.shape_cast %xor3A_745 : vector<16xi32> to vector<16x1xi32>
    %gather3A_747 = vector.shape_cast %broadcast_in_dim3A_746 : vector<16x1xi32> to vector<16xi32>
    %gather3A_748 = tpu.dynamic_gather %add3A_742[%gather3A_747] in [0] : vector<16xf32>, vector<16xi32> -> vector<16xf32>
    %add3A_749 = arith.addf %add3A_742, %gather3A_748 : vector<16xf32>
    %xor3A_750 = arith.constant 8 : i32
    %xor3A_751 = vector.broadcast %xor3A_750 : i32 to vector<16xi32>
    %xor3A_752 = arith.xori %iota3A_728, %xor3A_751 : vector<16xi32>
    %broadcast_in_dim3A_753 = vector.shape_cast %xor3A_752 : vector<16xi32> to vector<16x1xi32>
    %gather3A_754 = vector.shape_cast %broadcast_in_dim3A_753 : vector<16x1xi32> to vector<16xi32>
    %gather3A_755 = tpu.dynamic_gather %add3A_749[%gather3A_754] in [0] : vector<16xf32>, vector<16xi32> -> vector<16xf32>
    %add3A_756 = arith.addf %add3A_749, %gather3A_755 : vector<16xf32>
    %select_n3A_757 = arith.select %eq3A_697, %add3A_756, %select_n3A_694 : vector<16xi1>, vector<16xf32>
    %eq3A_758 = arith.constant 12 : i32
    %eq3A_759 = vector.broadcast %eq3A_758 : i32 to vector<16xi32>
    %eq3A_760 = arith.cmpi eq, %iota3A, %eq3A_759 : vector<16xi32>
    %iota3A_761 = tpu.iota {dimensions = array<i32: 0>} : vector<16xi32>
    %xor3A_762 = arith.constant 1 : i32
    %xor3A_763 = vector.broadcast %xor3A_762 : i32 to vector<16xi32>
    %xor3A_764 = arith.xori %iota3A_761, %xor3A_763 : vector<16xi32>
    %broadcast_in_dim3A_765 = vector.shape_cast %xor3A_764 : vector<16xi32> to vector<16x1xi32>
    %gather3A_766 = vector.shape_cast %broadcast_in_dim3A_765 : vector<16x1xi32> to vector<16xi32>
    %gather3A_767 = tpu.dynamic_gather %scan3A_5#12[%gather3A_766] in [0] : vector<16xf32>, vector<16xi32> -> vector<16xf32>
    %add3A_768 = arith.addf %scan3A_5#12, %gather3A_767 : vector<16xf32>
    %xor3A_769 = arith.constant 2 : i32
    %xor3A_770 = vector.broadcast %xor3A_769 : i32 to vector<16xi32>
    %xor3A_771 = arith.xori %iota3A_761, %xor3A_770 : vector<16xi32>
    %broadcast_in_dim3A_772 = vector.shape_cast %xor3A_771 : vector<16xi32> to vector<16x1xi32>
    %gather3A_773 = vector.shape_cast %broadcast_in_dim3A_772 : vector<16x1xi32> to vector<16xi32>
    %gather3A_774 = tpu.dynamic_gather %add3A_768[%gather3A_773] in [0] : vector<16xf32>, vector<16xi32> -> vector<16xf32>
    %add3A_775 = arith.addf %add3A_768, %gather3A_774 : vector<16xf32>
    %xor3A_776 = arith.constant 4 : i32
    %xor3A_777 = vector.broadcast %xor3A_776 : i32 to vector<16xi32>
    %xor3A_778 = arith.xori %iota3A_761, %xor3A_777 : vector<16xi32>
    %broadcast_in_dim3A_779 = vector.shape_cast %xor3A_778 : vector<16xi32> to vector<16x1xi32>
    %gather3A_780 = vector.shape_cast %broadcast_in_dim3A_779 : vector<16x1xi32> to vector<16xi32>
    %gather3A_781 = tpu.dynamic_gather %add3A_775[%gather3A_780] in [0] : vector<16xf32>, vector<16xi32> -> vector<16xf32>
    %add3A_782 = arith.addf %add3A_775, %gather3A_781 : vector<16xf32>
    %xor3A_783 = arith.constant 8 : i32
    %xor3A_784 = vector.broadcast %xor3A_783 : i32 to vector<16xi32>
    %xor3A_785 = arith.xori %iota3A_761, %xor3A_784 : vector<16xi32>
    %broadcast_in_dim3A_786 = vector.shape_cast %xor3A_785 : vector<16xi32> to vector<16x1xi32>
    %gather3A_787 = vector.shape_cast %broadcast_in_dim3A_786 : vector<16x1xi32> to vector<16xi32>
    %gather3A_788 = tpu.dynamic_gather %add3A_782[%gather3A_787] in [0] : vector<16xf32>, vector<16xi32> -> vector<16xf32>
    %add3A_789 = arith.addf %add3A_782, %gather3A_788 : vector<16xf32>
    %select_n3A_790 = arith.select %eq3A_760, %add3A_789, %select_n3A_727 : vector<16xi1>, vector<16xf32>
    %iota3A_791 = tpu.iota {dimensions = array<i32: 0>} : vector<16xi32>
    %xor3A_792 = arith.constant 1 : i32
    %xor3A_793 = vector.broadcast %xor3A_792 : i32 to vector<16xi32>
    %xor3A_794 = arith.xori %iota3A_791, %xor3A_793 : vector<16xi32>
    %broadcast_in_dim3A_795 = vector.shape_cast %xor3A_794 : vector<16xi32> to vector<16x1xi32>
    %gather3A_796 = vector.shape_cast %broadcast_in_dim3A_795 : vector<16x1xi32> to vector<16xi32>
    %gather3A_797 = tpu.dynamic_gather %scan3A_5#28[%gather3A_796] in [0] : vector<16xf32>, vector<16xi32> -> vector<16xf32>
    %add3A_798 = arith.addf %scan3A_5#28, %gather3A_797 : vector<16xf32>
    %xor3A_799 = arith.constant 2 : i32
    %xor3A_800 = vector.broadcast %xor3A_799 : i32 to vector<16xi32>
    %xor3A_801 = arith.xori %iota3A_791, %xor3A_800 : vector<16xi32>
    %broadcast_in_dim3A_802 = vector.shape_cast %xor3A_801 : vector<16xi32> to vector<16x1xi32>
    %gather3A_803 = vector.shape_cast %broadcast_in_dim3A_802 : vector<16x1xi32> to vector<16xi32>
    %gather3A_804 = tpu.dynamic_gather %add3A_798[%gather3A_803] in [0] : vector<16xf32>, vector<16xi32> -> vector<16xf32>
    %add3A_805 = arith.addf %add3A_798, %gather3A_804 : vector<16xf32>
    %xor3A_806 = arith.constant 4 : i32
    %xor3A_807 = vector.broadcast %xor3A_806 : i32 to vector<16xi32>
    %xor3A_808 = arith.xori %iota3A_791, %xor3A_807 : vector<16xi32>
    %broadcast_in_dim3A_809 = vector.shape_cast %xor3A_808 : vector<16xi32> to vector<16x1xi32>
    %gather3A_810 = vector.shape_cast %broadcast_in_dim3A_809 : vector<16x1xi32> to vector<16xi32>
    %gather3A_811 = tpu.dynamic_gather %add3A_805[%gather3A_810] in [0] : vector<16xf32>, vector<16xi32> -> vector<16xf32>
    %add3A_812 = arith.addf %add3A_805, %gather3A_811 : vector<16xf32>
    %xor3A_813 = arith.constant 8 : i32
    %xor3A_814 = vector.broadcast %xor3A_813 : i32 to vector<16xi32>
    %xor3A_815 = arith.xori %iota3A_791, %xor3A_814 : vector<16xi32>
    %broadcast_in_dim3A_816 = vector.shape_cast %xor3A_815 : vector<16xi32> to vector<16x1xi32>
    %gather3A_817 = vector.shape_cast %broadcast_in_dim3A_816 : vector<16x1xi32> to vector<16xi32>
    %gather3A_818 = tpu.dynamic_gather %add3A_812[%gather3A_817] in [0] : vector<16xf32>, vector<16xi32> -> vector<16xf32>
    %add3A_819 = arith.addf %add3A_812, %gather3A_818 : vector<16xf32>
    %select_n3A_820 = arith.select %eq3A_760, %add3A_819, %select_n3A_757 : vector<16xi1>, vector<16xf32>
    %eq3A_821 = arith.constant 13 : i32
    %eq3A_822 = vector.broadcast %eq3A_821 : i32 to vector<16xi32>
    %eq3A_823 = arith.cmpi eq, %iota3A, %eq3A_822 : vector<16xi32>
    %iota3A_824 = tpu.iota {dimensions = array<i32: 0>} : vector<16xi32>
    %xor3A_825 = arith.constant 1 : i32
    %xor3A_826 = vector.broadcast %xor3A_825 : i32 to vector<16xi32>
    %xor3A_827 = arith.xori %iota3A_824, %xor3A_826 : vector<16xi32>
    %broadcast_in_dim3A_828 = vector.shape_cast %xor3A_827 : vector<16xi32> to vector<16x1xi32>
    %gather3A_829 = vector.shape_cast %broadcast_in_dim3A_828 : vector<16x1xi32> to vector<16xi32>
    %gather3A_830 = tpu.dynamic_gather %scan3A_5#13[%gather3A_829] in [0] : vector<16xf32>, vector<16xi32> -> vector<16xf32>
    %add3A_831 = arith.addf %scan3A_5#13, %gather3A_830 : vector<16xf32>
    %xor3A_832 = arith.constant 2 : i32
    %xor3A_833 = vector.broadcast %xor3A_832 : i32 to vector<16xi32>
    %xor3A_834 = arith.xori %iota3A_824, %xor3A_833 : vector<16xi32>
    %broadcast_in_dim3A_835 = vector.shape_cast %xor3A_834 : vector<16xi32> to vector<16x1xi32>
    %gather3A_836 = vector.shape_cast %broadcast_in_dim3A_835 : vector<16x1xi32> to vector<16xi32>
    %gather3A_837 = tpu.dynamic_gather %add3A_831[%gather3A_836] in [0] : vector<16xf32>, vector<16xi32> -> vector<16xf32>
    %add3A_838 = arith.addf %add3A_831, %gather3A_837 : vector<16xf32>
    %xor3A_839 = arith.constant 4 : i32
    %xor3A_840 = vector.broadcast %xor3A_839 : i32 to vector<16xi32>
    %xor3A_841 = arith.xori %iota3A_824, %xor3A_840 : vector<16xi32>
    %broadcast_in_dim3A_842 = vector.shape_cast %xor3A_841 : vector<16xi32> to vector<16x1xi32>
    %gather3A_843 = vector.shape_cast %broadcast_in_dim3A_842 : vector<16x1xi32> to vector<16xi32>
    %gather3A_844 = tpu.dynamic_gather %add3A_838[%gather3A_843] in [0] : vector<16xf32>, vector<16xi32> -> vector<16xf32>
    %add3A_845 = arith.addf %add3A_838, %gather3A_844 : vector<16xf32>
    %xor3A_846 = arith.constant 8 : i32
    %xor3A_847 = vector.broadcast %xor3A_846 : i32 to vector<16xi32>
    %xor3A_848 = arith.xori %iota3A_824, %xor3A_847 : vector<16xi32>
    %broadcast_in_dim3A_849 = vector.shape_cast %xor3A_848 : vector<16xi32> to vector<16x1xi32>
    %gather3A_850 = vector.shape_cast %broadcast_in_dim3A_849 : vector<16x1xi32> to vector<16xi32>
    %gather3A_851 = tpu.dynamic_gather %add3A_845[%gather3A_850] in [0] : vector<16xf32>, vector<16xi32> -> vector<16xf32>
    %add3A_852 = arith.addf %add3A_845, %gather3A_851 : vector<16xf32>
    %select_n3A_853 = arith.select %eq3A_823, %add3A_852, %select_n3A_790 : vector<16xi1>, vector<16xf32>
    %iota3A_854 = tpu.iota {dimensions = array<i32: 0>} : vector<16xi32>
    %xor3A_855 = arith.constant 1 : i32
    %xor3A_856 = vector.broadcast %xor3A_855 : i32 to vector<16xi32>
    %xor3A_857 = arith.xori %iota3A_854, %xor3A_856 : vector<16xi32>
    %broadcast_in_dim3A_858 = vector.shape_cast %xor3A_857 : vector<16xi32> to vector<16x1xi32>
    %gather3A_859 = vector.shape_cast %broadcast_in_dim3A_858 : vector<16x1xi32> to vector<16xi32>
    %gather3A_860 = tpu.dynamic_gather %scan3A_5#29[%gather3A_859] in [0] : vector<16xf32>, vector<16xi32> -> vector<16xf32>
    %add3A_861 = arith.addf %scan3A_5#29, %gather3A_860 : vector<16xf32>
    %xor3A_862 = arith.constant 2 : i32
    %xor3A_863 = vector.broadcast %xor3A_862 : i32 to vector<16xi32>
    %xor3A_864 = arith.xori %iota3A_854, %xor3A_863 : vector<16xi32>
    %broadcast_in_dim3A_865 = vector.shape_cast %xor3A_864 : vector<16xi32> to vector<16x1xi32>
    %gather3A_866 = vector.shape_cast %broadcast_in_dim3A_865 : vector<16x1xi32> to vector<16xi32>
    %gather3A_867 = tpu.dynamic_gather %add3A_861[%gather3A_866] in [0] : vector<16xf32>, vector<16xi32> -> vector<16xf32>
    %add3A_868 = arith.addf %add3A_861, %gather3A_867 : vector<16xf32>
    %xor3A_869 = arith.constant 4 : i32
    %xor3A_870 = vector.broadcast %xor3A_869 : i32 to vector<16xi32>
    %xor3A_871 = arith.xori %iota3A_854, %xor3A_870 : vector<16xi32>
    %broadcast_in_dim3A_872 = vector.shape_cast %xor3A_871 : vector<16xi32> to vector<16x1xi32>
    %gather3A_873 = vector.shape_cast %broadcast_in_dim3A_872 : vector<16x1xi32> to vector<16xi32>
    %gather3A_874 = tpu.dynamic_gather %add3A_868[%gather3A_873] in [0] : vector<16xf32>, vector<16xi32> -> vector<16xf32>
    %add3A_875 = arith.addf %add3A_868, %gather3A_874 : vector<16xf32>
    %xor3A_876 = arith.constant 8 : i32
    %xor3A_877 = vector.broadcast %xor3A_876 : i32 to vector<16xi32>
    %xor3A_878 = arith.xori %iota3A_854, %xor3A_877 : vector<16xi32>
    %broadcast_in_dim3A_879 = vector.shape_cast %xor3A_878 : vector<16xi32> to vector<16x1xi32>
    %gather3A_880 = vector.shape_cast %broadcast_in_dim3A_879 : vector<16x1xi32> to vector<16xi32>
    %gather3A_881 = tpu.dynamic_gather %add3A_875[%gather3A_880] in [0] : vector<16xf32>, vector<16xi32> -> vector<16xf32>
    %add3A_882 = arith.addf %add3A_875, %gather3A_881 : vector<16xf32>
    %select_n3A_883 = arith.select %eq3A_823, %add3A_882, %select_n3A_820 : vector<16xi1>, vector<16xf32>
    %eq3A_884 = arith.constant 14 : i32
    %eq3A_885 = vector.broadcast %eq3A_884 : i32 to vector<16xi32>
    %eq3A_886 = arith.cmpi eq, %iota3A, %eq3A_885 : vector<16xi32>
    %iota3A_887 = tpu.iota {dimensions = array<i32: 0>} : vector<16xi32>
    %xor3A_888 = arith.constant 1 : i32
    %xor3A_889 = vector.broadcast %xor3A_888 : i32 to vector<16xi32>
    %xor3A_890 = arith.xori %iota3A_887, %xor3A_889 : vector<16xi32>
    %broadcast_in_dim3A_891 = vector.shape_cast %xor3A_890 : vector<16xi32> to vector<16x1xi32>
    %gather3A_892 = vector.shape_cast %broadcast_in_dim3A_891 : vector<16x1xi32> to vector<16xi32>
    %gather3A_893 = tpu.dynamic_gather %scan3A_5#14[%gather3A_892] in [0] : vector<16xf32>, vector<16xi32> -> vector<16xf32>
    %add3A_894 = arith.addf %scan3A_5#14, %gather3A_893 : vector<16xf32>
    %xor3A_895 = arith.constant 2 : i32
    %xor3A_896 = vector.broadcast %xor3A_895 : i32 to vector<16xi32>
    %xor3A_897 = arith.xori %iota3A_887, %xor3A_896 : vector<16xi32>
    %broadcast_in_dim3A_898 = vector.shape_cast %xor3A_897 : vector<16xi32> to vector<16x1xi32>
    %gather3A_899 = vector.shape_cast %broadcast_in_dim3A_898 : vector<16x1xi32> to vector<16xi32>
    %gather3A_900 = tpu.dynamic_gather %add3A_894[%gather3A_899] in [0] : vector<16xf32>, vector<16xi32> -> vector<16xf32>
    %add3A_901 = arith.addf %add3A_894, %gather3A_900 : vector<16xf32>
    %xor3A_902 = arith.constant 4 : i32
    %xor3A_903 = vector.broadcast %xor3A_902 : i32 to vector<16xi32>
    %xor3A_904 = arith.xori %iota3A_887, %xor3A_903 : vector<16xi32>
    %broadcast_in_dim3A_905 = vector.shape_cast %xor3A_904 : vector<16xi32> to vector<16x1xi32>
    %gather3A_906 = vector.shape_cast %broadcast_in_dim3A_905 : vector<16x1xi32> to vector<16xi32>
    %gather3A_907 = tpu.dynamic_gather %add3A_901[%gather3A_906] in [0] : vector<16xf32>, vector<16xi32> -> vector<16xf32>
    %add3A_908 = arith.addf %add3A_901, %gather3A_907 : vector<16xf32>
    %xor3A_909 = arith.constant 8 : i32
    %xor3A_910 = vector.broadcast %xor3A_909 : i32 to vector<16xi32>
    %xor3A_911 = arith.xori %iota3A_887, %xor3A_910 : vector<16xi32>
    %broadcast_in_dim3A_912 = vector.shape_cast %xor3A_911 : vector<16xi32> to vector<16x1xi32>
    %gather3A_913 = vector.shape_cast %broadcast_in_dim3A_912 : vector<16x1xi32> to vector<16xi32>
    %gather3A_914 = tpu.dynamic_gather %add3A_908[%gather3A_913] in [0] : vector<16xf32>, vector<16xi32> -> vector<16xf32>
    %add3A_915 = arith.addf %add3A_908, %gather3A_914 : vector<16xf32>
    %select_n3A_916 = arith.select %eq3A_886, %add3A_915, %select_n3A_853 : vector<16xi1>, vector<16xf32>
    %iota3A_917 = tpu.iota {dimensions = array<i32: 0>} : vector<16xi32>
    %xor3A_918 = arith.constant 1 : i32
    %xor3A_919 = vector.broadcast %xor3A_918 : i32 to vector<16xi32>
    %xor3A_920 = arith.xori %iota3A_917, %xor3A_919 : vector<16xi32>
    %broadcast_in_dim3A_921 = vector.shape_cast %xor3A_920 : vector<16xi32> to vector<16x1xi32>
    %gather3A_922 = vector.shape_cast %broadcast_in_dim3A_921 : vector<16x1xi32> to vector<16xi32>
    %gather3A_923 = tpu.dynamic_gather %scan3A_5#30[%gather3A_922] in [0] : vector<16xf32>, vector<16xi32> -> vector<16xf32>
    %add3A_924 = arith.addf %scan3A_5#30, %gather3A_923 : vector<16xf32>
    %xor3A_925 = arith.constant 2 : i32
    %xor3A_926 = vector.broadcast %xor3A_925 : i32 to vector<16xi32>
    %xor3A_927 = arith.xori %iota3A_917, %xor3A_926 : vector<16xi32>
    %broadcast_in_dim3A_928 = vector.shape_cast %xor3A_927 : vector<16xi32> to vector<16x1xi32>
    %gather3A_929 = vector.shape_cast %broadcast_in_dim3A_928 : vector<16x1xi32> to vector<16xi32>
    %gather3A_930 = tpu.dynamic_gather %add3A_924[%gather3A_929] in [0] : vector<16xf32>, vector<16xi32> -> vector<16xf32>
    %add3A_931 = arith.addf %add3A_924, %gather3A_930 : vector<16xf32>
    %xor3A_932 = arith.constant 4 : i32
    %xor3A_933 = vector.broadcast %xor3A_932 : i32 to vector<16xi32>
    %xor3A_934 = arith.xori %iota3A_917, %xor3A_933 : vector<16xi32>
    %broadcast_in_dim3A_935 = vector.shape_cast %xor3A_934 : vector<16xi32> to vector<16x1xi32>
    %gather3A_936 = vector.shape_cast %broadcast_in_dim3A_935 : vector<16x1xi32> to vector<16xi32>
    %gather3A_937 = tpu.dynamic_gather %add3A_931[%gather3A_936] in [0] : vector<16xf32>, vector<16xi32> -> vector<16xf32>
    %add3A_938 = arith.addf %add3A_931, %gather3A_937 : vector<16xf32>
    %xor3A_939 = arith.constant 8 : i32
    %xor3A_940 = vector.broadcast %xor3A_939 : i32 to vector<16xi32>
    %xor3A_941 = arith.xori %iota3A_917, %xor3A_940 : vector<16xi32>
    %broadcast_in_dim3A_942 = vector.shape_cast %xor3A_941 : vector<16xi32> to vector<16x1xi32>
    %gather3A_943 = vector.shape_cast %broadcast_in_dim3A_942 : vector<16x1xi32> to vector<16xi32>
    %gather3A_944 = tpu.dynamic_gather %add3A_938[%gather3A_943] in [0] : vector<16xf32>, vector<16xi32> -> vector<16xf32>
    %add3A_945 = arith.addf %add3A_938, %gather3A_944 : vector<16xf32>
    %select_n3A_946 = arith.select %eq3A_886, %add3A_945, %select_n3A_883 : vector<16xi1>, vector<16xf32>
    %eq3A_947 = arith.constant 15 : i32
    %eq3A_948 = vector.broadcast %eq3A_947 : i32 to vector<16xi32>
    %eq3A_949 = arith.cmpi eq, %iota3A, %eq3A_948 : vector<16xi32>
    %iota3A_950 = tpu.iota {dimensions = array<i32: 0>} : vector<16xi32>
    %xor3A_951 = arith.constant 1 : i32
    %xor3A_952 = vector.broadcast %xor3A_951 : i32 to vector<16xi32>
    %xor3A_953 = arith.xori %iota3A_950, %xor3A_952 : vector<16xi32>
    %broadcast_in_dim3A_954 = vector.shape_cast %xor3A_953 : vector<16xi32> to vector<16x1xi32>
    %gather3A_955 = vector.shape_cast %broadcast_in_dim3A_954 : vector<16x1xi32> to vector<16xi32>
    %gather3A_956 = tpu.dynamic_gather %scan3A_5#15[%gather3A_955] in [0] : vector<16xf32>, vector<16xi32> -> vector<16xf32>
    %add3A_957 = arith.addf %scan3A_5#15, %gather3A_956 : vector<16xf32>
    %xor3A_958 = arith.constant 2 : i32
    %xor3A_959 = vector.broadcast %xor3A_958 : i32 to vector<16xi32>
    %xor3A_960 = arith.xori %iota3A_950, %xor3A_959 : vector<16xi32>
    %broadcast_in_dim3A_961 = vector.shape_cast %xor3A_960 : vector<16xi32> to vector<16x1xi32>
    %gather3A_962 = vector.shape_cast %broadcast_in_dim3A_961 : vector<16x1xi32> to vector<16xi32>
    %gather3A_963 = tpu.dynamic_gather %add3A_957[%gather3A_962] in [0] : vector<16xf32>, vector<16xi32> -> vector<16xf32>
    %add3A_964 = arith.addf %add3A_957, %gather3A_963 : vector<16xf32>
    %xor3A_965 = arith.constant 4 : i32
    %xor3A_966 = vector.broadcast %xor3A_965 : i32 to vector<16xi32>
    %xor3A_967 = arith.xori %iota3A_950, %xor3A_966 : vector<16xi32>
    %broadcast_in_dim3A_968 = vector.shape_cast %xor3A_967 : vector<16xi32> to vector<16x1xi32>
    %gather3A_969 = vector.shape_cast %broadcast_in_dim3A_968 : vector<16x1xi32> to vector<16xi32>
    %gather3A_970 = tpu.dynamic_gather %add3A_964[%gather3A_969] in [0] : vector<16xf32>, vector<16xi32> -> vector<16xf32>
    %add3A_971 = arith.addf %add3A_964, %gather3A_970 : vector<16xf32>
    %xor3A_972 = arith.constant 8 : i32
    %xor3A_973 = vector.broadcast %xor3A_972 : i32 to vector<16xi32>
    %xor3A_974 = arith.xori %iota3A_950, %xor3A_973 : vector<16xi32>
    %broadcast_in_dim3A_975 = vector.shape_cast %xor3A_974 : vector<16xi32> to vector<16x1xi32>
    %gather3A_976 = vector.shape_cast %broadcast_in_dim3A_975 : vector<16x1xi32> to vector<16xi32>
    %gather3A_977 = tpu.dynamic_gather %add3A_971[%gather3A_976] in [0] : vector<16xf32>, vector<16xi32> -> vector<16xf32>
    %add3A_978 = arith.addf %add3A_971, %gather3A_977 : vector<16xf32>
    %select_n3A_979 = arith.select %eq3A_949, %add3A_978, %select_n3A_916 : vector<16xi1>, vector<16xf32>
    %iota3A_980 = tpu.iota {dimensions = array<i32: 0>} : vector<16xi32>
    %xor3A_981 = arith.constant 1 : i32
    %xor3A_982 = vector.broadcast %xor3A_981 : i32 to vector<16xi32>
    %xor3A_983 = arith.xori %iota3A_980, %xor3A_982 : vector<16xi32>
    %broadcast_in_dim3A_984 = vector.shape_cast %xor3A_983 : vector<16xi32> to vector<16x1xi32>
    %gather3A_985 = vector.shape_cast %broadcast_in_dim3A_984 : vector<16x1xi32> to vector<16xi32>
    %gather3A_986 = tpu.dynamic_gather %scan3A_5#31[%gather3A_985] in [0] : vector<16xf32>, vector<16xi32> -> vector<16xf32>
    %add3A_987 = arith.addf %scan3A_5#31, %gather3A_986 : vector<16xf32>
    %xor3A_988 = arith.constant 2 : i32
    %xor3A_989 = vector.broadcast %xor3A_988 : i32 to vector<16xi32>
    %xor3A_990 = arith.xori %iota3A_980, %xor3A_989 : vector<16xi32>
    %broadcast_in_dim3A_991 = vector.shape_cast %xor3A_990 : vector<16xi32> to vector<16x1xi32>
    %gather3A_992 = vector.shape_cast %broadcast_in_dim3A_991 : vector<16x1xi32> to vector<16xi32>
    %gather3A_993 = tpu.dynamic_gather %add3A_987[%gather3A_992] in [0] : vector<16xf32>, vector<16xi32> -> vector<16xf32>
    %add3A_994 = arith.addf %add3A_987, %gather3A_993 : vector<16xf32>
    %xor3A_995 = arith.constant 4 : i32
    %xor3A_996 = vector.broadcast %xor3A_995 : i32 to vector<16xi32>
    %xor3A_997 = arith.xori %iota3A_980, %xor3A_996 : vector<16xi32>
    %broadcast_in_dim3A_998 = vector.shape_cast %xor3A_997 : vector<16xi32> to vector<16x1xi32>
    %gather3A_999 = vector.shape_cast %broadcast_in_dim3A_998 : vector<16x1xi32> to vector<16xi32>
    %gather3A_1000 = tpu.dynamic_gather %add3A_994[%gather3A_999] in [0] : vector<16xf32>, vector<16xi32> -> vector<16xf32>
    %add3A_1001 = arith.addf %add3A_994, %gather3A_1000 : vector<16xf32>
    %xor3A_1002 = arith.constant 8 : i32
    %xor3A_1003 = vector.broadcast %xor3A_1002 : i32 to vector<16xi32>
    %xor3A_1004 = arith.xori %iota3A_980, %xor3A_1003 : vector<16xi32>
    %broadcast_in_dim3A_1005 = vector.shape_cast %xor3A_1004 : vector<16xi32> to vector<16x1xi32>
    %gather3A_1006 = vector.shape_cast %broadcast_in_dim3A_1005 : vector<16x1xi32> to vector<16xi32>
    %gather3A_1007 = tpu.dynamic_gather %add3A_1001[%gather3A_1006] in [0] : vector<16xf32>, vector<16xi32> -> vector<16xf32>
    %add3A_1008 = arith.addf %add3A_1001, %gather3A_1007 : vector<16xf32>
    %select_n3A_1009 = arith.select %eq3A_949, %add3A_1008, %select_n3A_946 : vector<16xi1>, vector<16xf32>
    %swap3A = arith.constant 0 : i32
    %swap3A_1010 = arith.index_cast %swap3A : i32 to index
    %swap3A_1011 = arith.constant 0 : index
    %swap3A_1012 = tpu.vector_load %arg7[%swap3A_1010, %swap3A_1011] {strides = array<i32>} : memref<2x16xf32, #tpu.memory_space<vmem>>, vector<1x16xf32>,
    %swap3A_1013 = vector.shape_cast %swap3A_1012 : vector<1x16xf32> to vector<16xf32>
    %swap3A_1014 = vector.shape_cast %select_n3A_979 : vector<16xf32> to vector<1x16xf32>
    tpu.vector_store %arg7[%swap3A_1010, %swap3A_1011], %swap3A_1014 {strides = array<i32>} : memref<2x16xf32, #tpu.memory_space<vmem>>, vector<1x16xf32>,
    %swap3A_1015 = arith.constant 1 : i32
    %swap3A_1016 = arith.index_cast %swap3A_1015 : i32 to index
    %swap3A_1017 = arith.constant 0 : index
    %swap3A_1018 = tpu.vector_load %arg7[%swap3A_1016, %swap3A_1017] {strides = array<i32>} : memref<2x16xf32, #tpu.memory_space<vmem>>, vector<1x16xf32>,
    %swap3A_1019 = vector.shape_cast %swap3A_1018 : vector<1x16xf32> to vector<16xf32>
    %swap3A_1020 = vector.shape_cast %select_n3A_1009 : vector<16xf32> to vector<1x16xf32>
    tpu.vector_store %arg7[%swap3A_1016, %swap3A_1017], %swap3A_1020 {strides = array<i32>} : memref<2x16xf32, #tpu.memory_space<vmem>>, vector<1x16xf32>,
    "tpu.region"() ({
      %run_scoped3A = tpu.sem_alloc : memref<!tpu.dma_semaphore, #tpu.memory_space<semaphore_mem>>
      %dma_start3A = arith.constant 0 : i32
      %dma_start3A_1021 = arith.constant 0 : i32
      %dma_start3A_1022 = tpu.memref_slice %arg4[%arg1, %dma_start3A, %dma_start3A_1021] : memref<16x2x16xf32, #tpu.memory_space<hbm>> -> memref<1x2x16xf32, #tpu.memory_space<hbm>>
      %dma_start3A_1023 = tpu.memref_squeeze %dma_start3A_1022 : memref<1x2x16xf32, #tpu.memory_space<hbm>> -> memref<2x16xf32, #tpu.memory_space<hbm>>
      %dma_start3A_1024 = arith.constant 0 : i32
      %dma_start3A_1025 = arith.constant 0 : i32
      %dma_start3A_1026 = tpu.memref_slice %arg4[%arg1, %dma_start3A_1024, %dma_start3A_1025] : memref<16x2x16xf32, #tpu.memory_space<hbm>> -> memref<1x2x16xf32, #tpu.memory_space<hbm>>
      %dma_start3A_1027 = tpu.memref_squeeze %dma_start3A_1026 : memref<1x2x16xf32, #tpu.memory_space<hbm>> -> memref<2x16xf32, #tpu.memory_space<hbm>>
      tpu.enqueue_dma source(%arg7 : memref<2x16xf32, #tpu.memory_space<vmem>>) target(%dma_start3A_1027 : memref<2x16xf32, #tpu.memory_space<hbm>>) target_semaphore(%run_scoped3A : memref<!tpu.dma_semaphore, #tpu.memory_space<semaphore_mem>>)
      %dma_wait3A = arith.constant 0 : i32
      %dma_wait3A_1028 = arith.constant 0 : i32
      %dma_wait3A_1029 = tpu.memref_slice %arg4[%arg1, %dma_wait3A, %dma_wait3A_1028] : memref<16x2x16xf32, #tpu.memory_space<hbm>> -> memref<1x2x16xf32, #tpu.memory_space<hbm>>
      %dma_wait3A_1030 = tpu.memref_squeeze %dma_wait3A_1029 : memref<1x2x16xf32, #tpu.memory_space<hbm>> -> memref<2x16xf32, #tpu.memory_space<hbm>>
      %dma_wait3A_1031 = arith.constant 0 : i32
      %dma_wait3A_1032 = arith.constant 0 : i32
      %dma_wait3A_1033 = tpu.memref_slice %arg4[%arg1, %dma_wait3A_1031, %dma_wait3A_1032] : memref<16x2x16xf32, #tpu.memory_space<hbm>> -> memref<1x2x16xf32, #tpu.memory_space<hbm>>
      %dma_wait3A_1034 = tpu.memref_squeeze %dma_wait3A_1033 : memref<1x2x16xf32, #tpu.memory_space<hbm>> -> memref<2x16xf32, #tpu.memory_space<hbm>>
      tpu.wait_dma2 semaphore(%run_scoped3A : memref<!tpu.dma_semaphore, #tpu.memory_space<semaphore_mem>>) src(%arg7 : memref<2x16xf32, #tpu.memory_space<vmem>>) dst(%dma_wait3A_1034 : memref<2x16xf32, #tpu.memory_space<hbm>>)
      tpu.yield
    }) : () -> ()
    return
  }
}

module attributes {stable_mosaic.version = 14 : i64} {
  func.func @_rowloss_body(%arg0: i32, %arg1: memref<4096xf32, #tpu.memory_space<vmem>>, %arg2: memref<4096x256xf32, #tpu.memory_space<vmem>>, %arg3: memref<4096x256xf32, #tpu.memory_space<vmem>>, %arg4: memref<4096xf32, #tpu.memory_space<vmem>>, %arg5: memref<4096x256xf32, #tpu.memory_space<vmem>>) attributes {dimension_semantics = [#tpu.dimension_semantics<arbitrary>], iteration_bounds = array<i64: 4>, scalar_prefetch = 0 : i64, scratch_operands = 0 : i64, tpu.core_type = #tpu.core_type<tc>, window_params = [{transform_indices = @transform_0, window_bounds = array<i64: 4096>}, {transform_indices = @transform_1, window_bounds = array<i64: 4096, 256>}, {transform_indices = @transform_2, window_bounds = array<i64: 4096, 256>}, {transform_indices = @transform_3, window_bounds = array<i64: 4096>}, {transform_indices = @transform_4, window_bounds = array<i64: 4096, 256>}]} {
    %get3A = arith.constant 0 : index
    %get3A_0 = arith.constant 0 : index
    %get3A_1 = vector.load %arg2[%get3A, %get3A_0] : memref<4096x256xf32, #tpu.memory_space<vmem>>, vector<4096x256xf32>
    %swap3A = arith.constant 0 : index
    %swap3A_2 = arith.constant 0 : index
    %swap3A_3 = vector.load %arg5[%swap3A, %swap3A_2] : memref<4096x256xf32, #tpu.memory_space<vmem>>, vector<4096x256xf32>
    tpu.vector_store %arg5[%swap3A, %swap3A_2], %get3A_1 {strides = array<i32>} : memref<4096x256xf32, #tpu.memory_space<vmem>>, vector<4096x256xf32>,
    %get3A_4 = arith.constant 0 : index
    %get3A_5 = arith.constant 0 : index
    %get3A_6 = vector.load %arg3[%get3A_4, %get3A_5] : memref<4096x256xf32, #tpu.memory_space<vmem>>, vector<4096x256xf32>
    %sub3A = arith.subf %get3A_1, %get3A_6 : vector<4096x256xf32>
    %mul3A = arith.mulf %sub3A, %sub3A : vector<4096x256xf32>
    %reduce_sum3A = arith.constant dense<0.000000e+00> : vector<4096xf32>
    %reduce_sum3A_7 = vector.multi_reduction <add>, %mul3A, %reduce_sum3A [1] : vector<4096x256xf32> to vector<4096xf32>
    %mul3A_8 = arith.constant 3.906250e-03 : f32
    %mul3A_9 = vector.broadcast %mul3A_8 : f32 to vector<4096xf32>
    %mul3A_10 = arith.mulf %reduce_sum3A_7, %mul3A_9 : vector<4096xf32>
    %get3A_11 = arith.constant 0 : index
    %get3A_12 = vector.load %arg1[%get3A_11] : memref<4096xf32, #tpu.memory_space<vmem>>, vector<4096xf32>
    %mul3A_13 = arith.mulf %mul3A_10, %get3A_12 : vector<4096xf32>
    %swap3A_14 = arith.constant 0 : index
    %swap3A_15 = vector.load %arg4[%swap3A_14] : memref<4096xf32, #tpu.memory_space<vmem>>, vector<4096xf32>
    tpu.vector_store %arg4[%swap3A_14], %mul3A_13 {strides = array<i32>} : memref<4096xf32, #tpu.memory_space<vmem>>, vector<4096xf32>,
    return
  }
  func.func @transform_0(%arg0: i32) -> i32 {
    %c0_i32 = arith.constant 0 : i32
    return %arg0 : i32
  }
  func.func @transform_1(%arg0: i32) -> (i32, i32) {
    %c0_i32 = arith.constant 0 : i32
    %c0_i32_0 = arith.constant 0 : i32
    return %arg0, %c0_i32 : i32, i32
  }
  func.func @transform_2(%arg0: i32) -> (i32, i32) {
    %c0_i32 = arith.constant 0 : i32
    %c0_i32_0 = arith.constant 0 : i32
    return %arg0, %c0_i32 : i32, i32
  }
  func.func @transform_3(%arg0: i32) -> i32 {
    %c0_i32 = arith.constant 0 : i32
    return %arg0 : i32
  }
  func.func @transform_4(%arg0: i32) -> (i32, i32) {
    %c0_i32 = arith.constant 0 : i32
    %c0_i32_0 = arith.constant 0 : i32
    return %arg0, %c0_i32 : i32, i32
  }
}

module attributes {stable_mosaic.version = 14 : i64} {
  func.func @_finalize_body(%arg0: memref<1xf32, #tpu.memory_space<smem>>, %arg1: memref<32x16xf32, #tpu.memory_space<vmem>>, %arg2: memref<16xf32, #tpu.memory_space<vmem>>, %arg3: memref<1xf32, #tpu.memory_space<smem>>) attributes {dimension_semantics = [], scalar_prefetch = 0 : i64, scratch_operands = 0 : i64, tpu.core_type = #tpu.core_type<tc>} {
    %get3A = arith.constant 0 : index
    %get3A_0 = arith.constant 0 : index
    %get3A_1 = vector.load %arg1[%get3A, %get3A_0] : memref<32x16xf32, #tpu.memory_space<vmem>>, vector<32x16xf32>
    %iota3A = tpu.iota {dimensions = array<i32: 0>} : vector<32x16xi32>
    %jit3A = arith.constant 2 : i32
    %eq3A = arith.constant 0 : i32
    %eq3A_2 = arith.cmpi eq, %jit3A, %eq3A : i32
    %jit3A_3 = arith.constant 1 : i32
    %select_n3A = arith.select %eq3A_2, %jit3A_3, %jit3A : i32
    %rem3A = vector.broadcast %select_n3A : i32 to vector<32x16xi32>
    %rem3A_4 = arith.remsi %iota3A, %rem3A : vector<32x16xi32>
    %ne3A = arith.constant 0 : i32
    %ne3A_5 = vector.broadcast %ne3A : i32 to vector<32x16xi32>
    %ne3A_6 = arith.cmpi ne, %rem3A_4, %ne3A_5 : vector<32x16xi32>
    %lt3A = arith.constant 0 : i32
    %lt3A_7 = vector.broadcast %lt3A : i32 to vector<32x16xi32>
    %lt3A_8 = arith.cmpi slt, %rem3A_4, %lt3A_7 : vector<32x16xi32>
    %lt3A_9 = arith.constant 0 : i32
    %lt3A_10 = arith.cmpi slt, %select_n3A, %lt3A_9 : i32
    %ne3A_11 = vector.broadcast %lt3A_10 : i1 to vector<32x16xi1>
    %ne3A_12 = vector.broadcast %ne3A_11 : vector<32x16xi1> to vector<32x16xi1>
    %ne3A_13 = arith.xori %lt3A_8, %ne3A_12 : vector<32x16xi1>
    %and3A = arith.andi %ne3A_13, %ne3A_6 : vector<32x16xi1>
    %add3A = vector.broadcast %select_n3A : i32 to vector<32x16xi32>
    %add3A_14 = arith.addi %rem3A_4, %add3A : vector<32x16xi32>
    %select_n3A_15 = arith.select %and3A, %add3A_14, %rem3A_4 : vector<32x16xi1>, vector<32x16xi32>
    %eq3A_16 = arith.constant 0 : i32
    %eq3A_17 = vector.broadcast %eq3A_16 : i32 to vector<32x16xi32>
    %eq3A_18 = arith.cmpi eq, %select_n3A_15, %eq3A_17 : vector<32x16xi32>
    %jit3A_19 = arith.constant 0.000000e+00 : f32
    %broadcast_in_dim3A = vector.broadcast %jit3A_19 : f32 to vector<32x16xf32>
    %select_n3A_20 = arith.select %eq3A_18, %get3A_1, %broadcast_in_dim3A : vector<32x16xi1>, vector<32x16xf32>
    %reduce_sum3A = arith.constant dense<0.000000e+00> : vector<16xf32>
    %reduce_sum3A_21 = vector.multi_reduction <add>, %select_n3A_20, %reduce_sum3A [0] : vector<32x16xf32> to vector<16xf32>
    %jit3A_22 = arith.constant 0.000000e+00 : f32
    %broadcast_in_dim3A_23 = vector.broadcast %jit3A_22 : f32 to vector<32x16xf32>
    %select_n3A_24 = arith.select %eq3A_18, %broadcast_in_dim3A_23, %get3A_1 : vector<32x16xi1>, vector<32x16xf32>
    %reduce_sum3A_25 = arith.constant dense<0.000000e+00> : vector<16xf32>
    %reduce_sum3A_26 = vector.multi_reduction <add>, %select_n3A_24, %reduce_sum3A_25 [0] : vector<32x16xf32> to vector<16xf32>
    %jit3A_27 = arith.constant 1.000000e+00 : f32
    %max3A = vector.broadcast %jit3A_27 : f32 to vector<16xf32>
    %max3A_28 = arith.maximumf %max3A, %reduce_sum3A_26 : vector<16xf32>
    %div3A = arith.divf %reduce_sum3A_21, %max3A_28 : vector<16xf32>
    %get3A_29 = arith.constant 0 : index
    %get3A_30 = vector.load %arg2[%get3A_29] : memref<16xf32, #tpu.memory_space<vmem>>, vector<16xf32>
    %mul3A = arith.mulf %div3A, %get3A_30 : vector<16xf32>
    %get3A_31 = arith.constant 0 : index
    %get3A_32 = memref.load %arg0[%get3A_31] : memref<1xf32, #tpu.memory_space<smem>>
    %jit3A_33 = arith.constant 0.000000e+00 : f32
    %max3A_34 = vector.broadcast %jit3A_33 : f32 to vector<16xf32>
    %max3A_35 = arith.maximumf %max3A_34, %mul3A : vector<16xf32>
    %min3A = vector.broadcast %get3A_32 : f32 to vector<16xf32>
    %min3A_36 = arith.minimumf %min3A, %max3A_35 : vector<16xf32>
    %reduce_sum3A_37 = vector.shape_cast %min3A_36 : vector<16xf32> to vector<1x16xf32>
    %reduce_sum3A_38 = arith.constant dense<0.000000e+00> : vector<1xf32>
    %reduce_sum3A_39 = vector.multi_reduction <add>, %reduce_sum3A_37, %reduce_sum3A_38 [1] : vector<1x16xf32> to vector<1xf32>
    %reduce_sum3A_40 = vector.shape_cast %reduce_sum3A_39 : vector<1xf32> to vector<1x1xf32>
    %reduce_sum3A_41 = vector.extract %reduce_sum3A_40[0, 0] : f32 from vector<1x1xf32>
    %mul3A_42 = arith.constant 6.250000e-02 : f32
    %mul3A_43 = arith.mulf %reduce_sum3A_41, %mul3A_42 : f32
    %swap3A = arith.constant 0 : index
    %swap3A_44 = memref.load %arg3[%swap3A] : memref<1xf32, #tpu.memory_space<smem>>
    memref.store %mul3A_43, %arg3[%swap3A] : memref<1xf32, #tpu.memory_space<smem>>
    return
  }
}

</mosaic_0001>

<sc_bundles>
// kernel: kernel.5.cloned.1.call-start
scs
__scs_entry_jumppad:
0x0: {  	(pc) =	sbr.rel $0x88, $3  }
0x1: {  	(tag) =	ssettag $0x0;
	lr =	simm.s32 $0x1  }
0x2: {  	[smem:$0x3F9B] =	sst lr;
	_ =	strace $0xD0000000  }
0x3: {  	_ = 	snop  }
0x4: {  	_ = 	snop  }
0x5: {  	_ = 	snop  }
0x6: {  	_ = 	snop  }
0x7: {  	_ = 	snop  }
__scs_overlays_trampoline_lowered:
0x8: {  	[smem:$0x3FAA] =	sst s0  }
0x9: {  	[smem:$0x3FAB] =	sst s1  }
0xa: {  	[smem:$0x3FAC] =	sst s2  }
0xb: {  	[smem:$0x3FAD] =	sst s3  }
0xc: {  	[smem:$0x3FAE] =	sst s4  }
0xd: {  	[smem:$0x3FAF] =	sst s5  }
0xe: {  	[smem:$0x3FB0] =	sst s6  }
0xf: {  	[smem:$0x3FB1] =	sst s7  }
0x10: {  	[smem:$0x3FB2] =	sst s8  }
0x11: {  	[smem:$0x3FB3] =	sst s9;
	s0 =	simm.s32 @!p0 $0x0  }
0x12: {  	s1 =	sld [smem:$0x3F99];
	s0 =	simm.s32 @p0 $0x1  }
0x13: {  	[smem:$0x3FB4] =	sst s0;
	s0 =	simm.s32 @!p1 $0x0  }
0x14: {  	s2 =	sld [smem:$0x3F98];
	s0 =	simm.s32 @p1 $0x1  }
0x15: {  	[smem:$0x3FB5] =	sst s0;
	s0 =	simm.s32 @!p2 $0x0  }
0x16: {  	s3 =	sld [smem:$0x3FDB];
	s0 =	simm.s32 @p2 $0x1  }
0x17: {  	s4 =	simm.s32 $0x1BF5;
	[smem:$0x3FB7] =	sst s0  }
0x18: {  	s0 =	sld [smem:$0x3F9A];
	_ =	swait.ge [sflag:s4], $0x0  }
0x19: {  	s7 =	sld [smem:$0x3F9B]  }
0x1a: {  	s8 =	sadd.s32 $0xFFFFE003, lr  }
0x1b: {  	s9 =	sadd.s32 $0xFFFFFEF7, lr;
	s5 =	simm.s32 $0xFFFFFFFF;
	p2 =	slt.u32 s8, $0xFFFFF086  }
0x1c: {  	p1 =	slt.u32 s9, $0xF7A;
	s5 =	simm.s32 @!p2 $0x0  }
0x1d: {  	s5 =	simm.s32 @p1 $0x1;
	p0 =	seq.s32 s7, s2  }
0x1e: {  	s7 =	smul.u32 @!p0 $0xF7A, s2;
	p2 =	seq.s32 @!p0 s5, $0x0  }
0x1f: {  	s9 =	smul.u32 $0xF7A, s1;
	s8 =	simm.s32 @!p0 $0x1BF5;
	p2 =	por !p2, p0  }
0x20: {  	[sflag:s8] =	ssyncset.s32 @!p0 $0xFFFFF086;
	s6 =	sadd.s32 @!p0 s3, s7;
	s7 =	simm.s32 @!p0 $0x108  }
0x21: {  	s3 =	sadd.s32 s3, s9;
	s6 =	sadd.s32 @!p0 $0x88, s6;
	s7 =	simm.s32 @p2 $0x1082  }
0x22: {  	[simem:s7], [sflag:s8] =	dma.local @!p0 [hbm:s6], $0xF7A  }
0x23: {  	s9 =	sor.u32 $0xD0000000, s2;
	s6 =	simm.s32 $0x108;
	_ =	swait.ge @!p0 [sflag:s8], $0x0  }
0x24: {  	s3 =	sadd.s32 $0x88, s3;
	s6 =	simm.s32 @!p1 $0x1082;
	[sflag:s4] =	ssyncset.s32 $0xFFFFF086  }
0x25: {  	[simem:s6], [sflag:s4] =	dma.local [hbm:s3], $0xF7A  }
0x26: {  	[smem:$0x3F9B] =	sst s1;
	(tag) =	ssettag s2;
	_ =	strace s9  }
0x27: {  	s1 =	sld [smem:$0x3FAB]  }
0x28: {  	s2 =	sld [smem:$0x3FAC]  }
0x29: {  	s4 =	sld [smem:$0x3FAE]  }
0x2a: {  	p0 =	seq.s32 s5, $0x0;
	s5 =	sld [smem:$0x3FAF]  }
0x2b: {  	s6 =	sld [smem:$0x3FB0]  }
0x2c: {  	s7 =	sld [smem:$0x3FB1]  }
0x2d: {  	s3 =	simm.s32 $0x108;
	s8 =	sld [smem:$0x3FB2]  }
0x2e: {  	s3 =	simm.s32 @!p0 $0x1082;
	s9 =	sld [smem:$0x3FB3]  }
0x2f: {  	lr =	sadd.s32 s0, s3;
	s0 =	sld [smem:$0x3FAA]  }
0x30: {  	s3 =	sld [smem:$0x3FAD]  }
0x31: {  	[smem:$0x3FB6] =	sst s10  }
0x32: {  	s10 =	sld [smem:$0x3FB4];
	_ =	sdelay $0x3  }
0x33: {  	p0 =	seq.s32 s10, $0x1;
	s10 =	sld [smem:$0x3FB6];
	_ =	sdelay $0x3  }
0x34: {  	[smem:$0x3FB6] =	sst s10  }
0x35: {  	s10 =	sld [smem:$0x3FB5];
	_ =	sdelay $0x3  }
0x36: {  	p1 =	seq.s32 s10, $0x1;
	s10 =	sld [smem:$0x3FB6];
	_ =	sdelay $0x3  }
0x37: {  	[smem:$0x3FB6] =	sst s10  }
0x38: {  	s10 =	sld [smem:$0x3FB7]  }
0x39: {  	_ = 	snop;
	(pc) =	sbr.ind lr, $3  }
0x3a: {  	_ = 	snop  }
0x3b: {  	_ = 	snop  }
0x3c: {  	p2 =	seq.s32 s10, $0x1;
	s10 =	sld [smem:$0x3FB6]  }
0x3d: {  	_ =	shalt  }
0x3e: {  	_ =	shalt  }
0x3f: {  	_ =	shalt  }
0x40: {  	_ =	shalt  }
0x41: {  	_ =	shalt  }
0x42: {  	_ =	shalt  }
0x43: {  	_ =	shalt  }
0x44: {  	_ =	shalt  }
0x45: {  	_ =	shalt  }
0x46: {  	_ =	shalt  }
0x47: {  	_ =	shalt  }
0x48: {  	_ =	shalt  }
0x49: {  	_ =	shalt  }
0x4a: {  	_ =	shalt  }
0x4b: {  	_ =	shalt  }
0x4c: {  	_ =	shalt  }
0x4d: {  	_ =	shalt  }
0x4e: {  	_ =	shalt  }
0x4f: {  	_ =	shalt  }
0x50: {  	_ =	shalt  }
0x51: {  	_ =	shalt  }
0x52: {  	_ =	shalt  }
0x53: {  	_ =	shalt  }
0x54: {  	_ =	shalt  }
0x55: {  	_ =	shalt  }
0x56: {  	_ =	shalt  }
0x57: {  	_ =	shalt  }
0x58: {  	_ =	shalt  }
0x59: {  	_ =	shalt  }
0x5a: {  	_ =	shalt  }
0x5b: {  	_ =	shalt  }
0x5c: {  	_ =	shalt  }
0x5d: {  	_ =	shalt  }
0x5e: {  	_ =	shalt  }
0x5f: {  	_ =	shalt  }
0x60: {  	_ =	shalt  }
0x61: {  	_ =	shalt  }
0x62: {  	_ =	shalt  }
0x63: {  	_ =	shalt  }
0x64: {  	_ =	shalt  }
0x65: {  	_ =	shalt  }
0x66: {  	_ =	shalt  }
0x67: {  	_ =	shalt  }
0x68: {  	_ =	shalt  }
0x69: {  	_ =	shalt  }
0x6a: {  	_ =	shalt  }
0x6b: {  	_ =	shalt  }
0x6c: {  	_ =	shalt  }
0x6d: {  	_ =	shalt  }
0x6e: {  	_ =	shalt  }
0x6f: {  	_ =	shalt  }
0x70: {  	_ =	shalt  }
0x71: {  	_ =	shalt  }
0x72: {  	_ =	shalt  }
0x73: {  	_ =	shalt  }
0x74: {  	_ =	shalt  }
0x75: {  	_ =	shalt  }
0x76: {  	_ =	shalt  }
0x77: {  	_ =	shalt  }
0x78: {  	_ =	shalt  }
0x79: {  	_ =	shalt  }
0x7a: {  	_ =	shalt  }
0x7b: {  	_ =	shalt  }
0x7c: {  	_ =	shalt  }
0x7d: {  	_ =	shalt  }
0x7e: {  	_ =	shalt  }
0x7f: {  	_ =	shalt  }
0x80: {  	_ =	shalt  }
0x81: {  	_ =	shalt  }
0x82: {  	_ =	shalt  }
0x83: {  	_ =	shalt  }
0x84: {  	_ =	shalt  }
0x85: {  	_ =	shalt  }
0x86: {  	_ =	shalt  }
0x87: {  	_ =	shalt  }
.Lfunc_end0:
.L_simem_size_0:
called_computation_lowered:
.L_overlay_start_0:
0x88: {  	s0 =	sld [smem:$0x3FD9]  }
0x89: {  	s1 =	sld [smem:$0x3FFE];
	_ =	sdelay $0x3  }
0x8a: {  	s0 =	sadd.s32 s1, s0  }
0x8b: {  	[smem:$0x3FC2] =	sst s0  }
0x8c: {  	_ = 	snop  }
0x8d: {  	s0 =	sld [smem:$0x3FC9];
	(tm) =	ssettm $0x1  }
0x8e: {  	s16 =	sld [smem:$0x3FFB];
	_ =	sdelay $0x3  }
0x8f: {  	_ =	strace s16  }
0x90: {  	s1 =	sld [smem:$0x3FFC];
	_ =	sdelay $0x3  }
0x91: {  	_ =	strace s1  }
0x92: {  	s1 =	sld [smem:$0x3FFD];
	_ =	sdelay $0x3  }
0x93: {  	_ =	strace s1  }
0x94: {  	_ =	strace $0x8FFFFFFF  }
0x95: {  	s17 =	sld [smem:$0x3FDB];
	_ =	sdelay $0x1  }
0x96: {  	s2 =	simm.s32 $_scs_section_size  }
0x97: {  	s3 =	simm.s32 $_size__tile_overlayer_lowered;
	s4 =	simm.s32 $_tile_overlayer_lowered  }
0x98: {  	s20 =	simm.s32 $0x1BFF;
	s19 =	sshll.u32 s4, $0x1;
	s1 =	sadd.s32 s2, s17  }
0x99: {  	s5 =	simm.s32 $0x0;
	s18 =	sshll.u32 s3, $0x1;
	s3 =	sadd.s32 s19, s1  }
0x9a: {  	[timem:s5], [sflag:s20] =	dma.local [hbm:s3], s18  }
0x9b: {  	_ =	swait.ge [sflag:s20], s18  }
0x9c: {  	s2 =	ssub.s32 $0x0, s18;
	[sflag:s20] =	ssyncset.done $0x0  }
0x9d: {  	[sflag:s20] =	ssyncadd.s32 s2;
	_ =	sdelay $0x1  }
0x9e: {  	s21 =	simm.s32 $0x1B8B  }
0x9f: {  	_ =	swait.ge [sflag:s21], $0x1  }
0xa0: {  	[sflag:s21] =	ssyncset.done $0x0  }
0xa1: {  	s23 =	simm.s32 $0x1B8E;
	s22 =	sld [smem:$0x3FFE];
	[sflag:s21] =	ssyncadd.s32 $0xFFFFFFFF  }
0xa2: {  	s24 =	simm.s32 $execute0_lowered;
	[smem:$0x3FD2] =	sst s23  }
0xa3: {  	s3 =	sshll.u32 s24, $0x1;
	_ =	strace $0x80000046;
	[dreg:$0x1] =	wrdreg $0xFFFFFFFF  }
0xa4: {  	s25 =	simm.s32 $_size_execute0_lowered;
	s1 =	sadd.s32 s1, s3;
	[dreg:$0x0] =	wrdreg $0x0  }
0xa5: {  	s3 =	sshll.u32 s25, $0x1;
	[dreg:$0x2] =	wrdreg s1  }
0xa6: {  	[dreg:$0x3] =	wrdreg s3  }
0xa7: {  	[dreg:$0x4] =	wrdreg $0xC0  }
0xa8: {  	_ =	task [dreg:s5], $0x5FFFF  }
0xa9: {  	[dreg:$0x1] =	wrdreg $0xFFFFFFFF  }
0xaa: {  	[dreg:$0x0] =	wrdreg $0x60  }
0xab: {  	[dreg:$0x2] =	wrdreg s22  }
0xac: {  	[dreg:$0x3] =	wrdreg s0  }
0xad: {  	[dreg:$0x4] =	wrdreg $0x9  }
0xae: {  	_ =	task.clear_ibuf [dreg:s5], $0x5FFFF;
	_ =	strace $0x90000046  }
0xaf: {  	s26 =	simm.s32 $0x9;
	_ =	strace $0x80000048  }
0xb0: {  	_ =	swait.ge [sflag:s26], $0x1  }
0xb1: {  	[sflag:s26] =	ssyncadd.s32 $0xFFFFFFFF  }
0xb2: {  	_ =	strace $0x90000048  }
0xb3: {  	_ =	sfence  }
0xb4: {  	s28 =	sld [smem:$0x0];
	_ =	sdelay $0x1  }
0xb5: {  	s29 =	srdreg.scid  }
0xb6: {  	s30 =	sshll.u32 s29, $0xD;
	s31 =	sshrl.u32 s29, $0x2  }
0xb7: {  	s2 =	sand.u32 $0x4000, s30;
	s1 =	sand.u32 $0x1, s29;
	s0 =	sadd.s32 s31, s28  }
0xb8: {  	s1 =	sor.u32 s2, s1;
	s0 =	sshll.u32 s0, $0x11  }
0xb9: {  	s0 =	sor.u32 s0, s1  }
0xba: {  	s0 =	sadd.s32 $0x8F2B, s0  }
0xbb: {  	[sflag:s0] =	ssyncadd.remote.s32 $0x1  }
0xbc: {  	_ =	sfence.sel $0xFFFF  }
0xbd: {  	[dreg:$0x0] =	wrdreg $0xFFFFFFFF;
	(pc) =	sbr.abs _section_cstart, $3  }
0xbe: {  	[dreg:$0x1] =	wrdreg $0xFFFFFFFF  }
0xbf: {  	_ =	task.clear_ibuf [dreg:s5], $0x2FFFF;
	_ =	strace $0x9FFFFFFF  }
0xc0: {  	(tm) =	ssettm $0x7FFFFFFF  }
0xc1: {  	_ =	shalt  }
tec
execute0_lowered:
.L_overlay_start_1:
0x0: {  	(tag) =	ssettag $0x1  }
0x1: {  	s2 =	rddreg [dreg:$0x0]  }
0x2: {  	s3 =	rddreg [dreg:$0x1];
	s1 =	stileid.u32  }
0x3: {  	s0 =	rddreg [dreg:$0x2];
	s4 =	simm.s32 $0x0;
	s5 =	sshll.u32 s1, $0x7  }
0x4: {  	[smem:$0x7FF] =	sst s4;
	s6 =	sadd.s32 s5, s2  }
0x5: {  	s29 =	simm.s32 $0x1;
	_ =	strace $0x80000047;
	s6 =	sadd.s32 $0x1000, s6  }
0x6: {  	[tilespmem:s4], [sflag:$0x1] =	stream.linear.gather [hbm4b:s6+s4], $0x400, $0x38;
	[tilespmem:$0x900] =	vst v63  }
0x7: {  	_ =	swait.ge [sflag:s29], $0x400  }
0x8: {  	[sflag:s29] =	ssyncset.done $0x0  }
0x9: {  	s30 =	simm.s32 $0x400;
	s3 =	sadd.s32 s3, s5;
	[sflag:s29] =	ssyncadd.s32 $0xFFFFFC00  }
0xa: {  	[tilespmem:s30], [sflag:$0x1] =	stream.linear.gather [hbm4b:s3+s4], $0x400, $0x38;
	[tilespmem:$0x900] =	vst v63  }
0xb: {  	_ =	swait.ge [sflag:s29], $0x400  }
0xc: {  	[sflag:s29] =	ssyncset.done $0x0  }
0xd: {  	s31 =	simm.s32 $0x0;
	[sflag:s29] =	ssyncadd.s32 $0xFFFFFC00  }
0xe: {  	v2 =	vld [tilespmem:s31+$0x400]  }
0xf: {  	v15 =	vimm.f32 $0.0e+00  }
0x10: {  	v34 =	vimm.f32 $0.0e+00;
	v35 =	vimm.f32 $0.0e+00;
	v27 =	vimm.f32 $0.0e+00  }
0x11: {  	v31 =	vimm.f32 $0.0e+00;
	v32 =	vimm.f32 $0.0e+00;
	v33 =	vimm.f32 $0.0e+00  }
0x12: {  	v24 =	vimm.f32 $0.0e+00;
	v29 =	vimm.f32 $0.0e+00;
	v25 =	vimm.f32 $0.0e+00  }
0x13: {  	v28 =	vimm.f32 $0.0e+00;
	vm1 =	veq.s32 v2, $0x0;
	vm3 =	veq.s32 v2, $0x1  }
0x14: {  	v14 =	vld [tilespmem:s31+$0x0];
	vm7 =	veq.s32 v2, $0xE;
	vm5 =	veq.s32 v2, $0x3;
	vm0 =	veq.s32 v2, $0x4  }
0x15: {  	vm10 =	veq.s32 v2, $0x6;
	vm11 =	veq.s32 v2, $0x7;
	vm4 =	veq.s32 v2, $0x9  }
0x16: {  	vm6 =	veq.s32 v2, $0xA;
	vm12 =	veq.s32 v2, $0xC;
	vm8 =	veq.s32 v2, $0xD  }
0x17: {  	vm2 =	veq.s32 v2, $0xB;
	vm9 =	veq.s32 v2, $0x5;
	vm13 =	veq.s32 v2, $0xF  }
0x18: {  	v0 =	vsel vm3, $0x3F800000, v15;
	v3 =	vsel vm5, $0x3F800000, v15;
	v4 =	vsel vm10, $0x3F800000, v15  }
0x19: {  	v1 =	vnsel vm8, $0x0, v14;
	v5 =	vsel vm8, $0x3F800000, v15;
	v6 =	vnsel vm3, $0x0, v14  }
0x1a: {  	v36 =	vnsel vm12, $0x0, v14;
	vm8 =	veq.s32 v2, $0x2;
	v13 =	vnsel vm11, $0x0, v14  }
0x1b: {  	vm3 =	veq.s32 v2, $0x8;
	v16 =	vsel vm12, $0x3F800000, v15;
	v18 =	vnsel vm10, $0x0, v14  }
0x1c: {  	v2 =	vnsel vm4, $0x0, v14;
	v10 =	vsel vm11, $0x3F800000, v15;
	v11 =	vnsel vm7, $0x0, v14  }
0x1d: {  	v22 =	vnsel vm13, $0x0, v14;
	v37 =	vnsel vm5, $0x0, v14;
	v23 =	vsel vm6, $0x3F800000, v15  }
0x1e: {  	v38 =	vnsel vm1, $0x0, v14;
	v40 =	vsel vm9, $0x3F800000, v15;
	v17 =	vadd.f32 v0, v15  }
0x1f: {  	v0 =	vsel vm7, $0x3F800000, v15;
	v1 =	vadd.f32 v1, v15;
	v20 =	vadd.f32 v3, v15  }
0x20: {  	v12 =	vadd.f32 v4, v15;
	v4 =	vnsel vm0, $0x0, v14;
	v3 =	vadd.f32 v5, v15  }
0x21: {  	v5 =	vsel vm13, $0x3F800000, v15;
	v8 =	vadd.f32 v2, v15;
	v26 =	vadd.f32 v6, v15  }
0x22: {  	v7 =	vsel vm3, $0x3F800000, v15;
	v18 =	vadd.f32 v18, v15;
	v13 =	vadd.f32 v13, v15  }
0x23: {  	v6 =	vnsel vm6, $0x0, v14;
	v0 =	vadd.f32 v0, v15;
	v2 =	vadd.f32 v5, v15  }
0x24: {  	v30 =	vnsel vm8, $0x0, v14;
	v9 =	vadd.f32 v7, v15;
	v7 =	vadd.f32 v6, v15  }
0x25: {  	v21 =	vadd.f32 v4, v15;
	v4 =	vadd.f32 v11, v15;
	v5 =	vnsel vm9, $0x0, v14  }
0x26: {  	v11 =	vadd.f32 v10, v15;
	v6 =	vsel vm4, $0x3F800000, v15;
	v19 =	vadd.f32 v5, v15  }
0x27: {  	v39 =	vsel vm8, $0x3F800000, v15;
	v10 =	vadd.f32 v6, v15;
	v6 =	vadd.f32 v16, v15  }
0x28: {  	s2 =	sadd.s32 $0x1800, s2;
	s3 =	simm.s32 $0x40;
	v5 =	vadd.f32 v22, v15;
	v22 =	vimm.f32 $0.0e+00;
	v16 =	vimm.f32 $0.0e+00  }
.LBB2_1:
0x29: {  	s4 =	sshra.s32 s3, $0x2;
	p0 =	sne.s32 s3, $0xFC0;
	s3 =	sadd.s32 $0x40, s3;
	v41 =	vnsel vm3, $0x0, v14;
	v22 =	vadd.f32 v23, v22;
	v34 =	vadd.f32 v36, v34  }
0x2a: {  	v35 =	vadd.f32 v37, v35;
	v14 =	vnsel vm2, $0x0, v14;
	v23 =	vld [tilespmem:s4+$0x400];
	v27 =	vadd.f32 v41, v27  }
0x2b: {  	v31 =	vadd.f32 v39, v31;
	v32 =	vadd.f32 v40, v32;
	v36 =	vsel vm2, $0x3F800000, v15  }
0x2c: {  	v33 =	vadd.f32 v38, v33;
	v37 =	vsel vm1, $0x3F800000, v15;
	v24 =	vadd.f32 v14, v24  }
0x2d: {  	v29 =	vadd.f32 v37, v29;
	v14 =	vsel vm0, $0x3F800000, v15;
	v25 =	vadd.f32 v36, v25  }
0x2e: {  	v28 =	vadd.f32 v30, v28;
	v16 =	vadd.f32 v14, v16  }
0x2f: {  	v14 =	vld [tilespmem:s4+$0x0];
	vm1 =	veq.s32 v23, $0x0;
	vm3 =	veq.s32 v23, $0x1;
	vm7 =	veq.s32 v23, $0xE  }
0x30: {  	vm5 =	veq.s32 v23, $0x3;
	vm0 =	veq.s32 v23, $0x4;
	v30 =	vsel vm3, $0x3F800000, v15  }
0x31: {  	vm11 =	veq.s32 v23, $0x6;
	vm10 =	veq.s32 v23, $0x7;
	v17 =	vadd.f32 v30, v17  }
0x32: {  	vm4 =	veq.s32 v23, $0x9;
	vm6 =	veq.s32 v23, $0xA;
	v30 =	vsel vm7, $0x3F800000, v15  }
0x33: {  	vm12 =	veq.s32 v23, $0xC;
	vm8 =	veq.s32 v23, $0xD;
	v0 =	vadd.f32 v30, v0  }
0x34: {  	v37 =	vsel vm11, $0x3F800000, v15;
	v30 =	vsel vm5, $0x3F800000, v15;
	v36 =	vnsel vm8, $0x0, v14  }
0x35: {  	vm2 =	veq.s32 v23, $0xB;
	v38 =	vsel vm8, $0x3F800000, v15;
	v1 =	vadd.f32 v36, v1  }
0x36: {  	v20 =	vadd.f32 v30, v20;
	v39 =	vnsel vm3, $0x0, v14;
	v36 =	vnsel vm12, $0x0, v14  }
0x37: {  	vm8 =	veq.s32 v23, $0x2;
	v41 =	vnsel vm10, $0x0, v14;
	vm3 =	veq.s32 v23, $0x8  }
0x38: {  	vm9 =	veq.s32 v23, $0x5;
	vm13 =	veq.s32 v23, $0xF;
	v12 =	vadd.f32 v37, v12  }
0x39: {  	v40 =	vsel vm12, $0x3F800000, v15;
	v3 =	vadd.f32 v38, v3;
	v23 =	vnsel vm0, $0x0, v14  }
0x3a: {  	v38 =	vsel vm13, $0x3F800000, v15;
	v42 =	vnsel vm11, $0x0, v14;
	v37 =	vnsel vm4, $0x0, v14  }
0x3b: {  	v43 =	vsel vm10, $0x3F800000, v15;
	v44 =	vnsel vm7, $0x0, v14;
	v30 =	vnsel vm8, $0x0, v14  }
0x3c: {  	v46 =	vnsel vm13, $0x0, v14;
	v45 =	vsel vm3, $0x3F800000, v15;
	v8 =	vadd.f32 v37, v8  }
0x3d: {  	v2 =	vadd.f32 v38, v2;
	v26 =	vadd.f32 v39, v26;
	v39 =	vnsel vm6, $0x0, v14  }
0x3e: {  	v37 =	vnsel vm5, $0x0, v14;
	v9 =	vadd.f32 v45, v9;
	v7 =	vadd.f32 v39, v7  }
.Ltmp0:
0x3f: {  	v21 =	vadd.f32 v23, v21;
	v23 =	vsel vm6, $0x3F800000, v15;
	v4 =	vadd.f32 v44, v4;
	(pc) =	sbr.rel @p0 .LBB2_1-.Ltmp0, $4  }
0x40: {  	v11 =	vadd.f32 v43, v11;
	v43 =	vsel vm4, $0x3F800000, v15;
	v39 =	vnsel vm9, $0x0, v14  }
0x41: {  	v10 =	vadd.f32 v43, v10;
	v38 =	vnsel vm1, $0x0, v14;
	v19 =	vadd.f32 v39, v19  }
0x42: {  	v6 =	vadd.f32 v40, v6;
	v5 =	vadd.f32 v46, v5;
	v39 =	vsel vm8, $0x3F800000, v15  }
0x43: {  	v40 =	vsel vm9, $0x3F800000, v15;
	v18 =	vadd.f32 v42, v18;
	v13 =	vadd.f32 v41, v13  }
0x44: {  	v41 =	vnsel vm3, $0x0, v14;
	v23 =	vadd.f32 v23, v22  }
0x45: {  	v22 =	vadd.f32 v36, v34;
	v34 =	vadd.f32 v37, v35;
	v47 =	vimm.s32 $0xEFCDAB89  }
0x46: {  	v48 =	vimm.s32 $0x67452301;
	v49 =	vnsel vm2, $0x0, v14;
	v31 =	vadd.f32 v39, v31  }
0x47: {  	v32 =	vadd.f32 v40, v32;
	v33 =	vadd.f32 v38, v33;
	v50 =	vsel vm1, $0x3F800000, v15  }
0x48: {  	v51 =	vimm.s32 $0xDCFE98BA;
	v52 =	vimm.s32 $0x54761032;
	v55 =	vsel vm2, $0x3F800000, v15  }
0x49: {  	v58 =	vsel vm0, $0x3F800000, v15;
	v60 =	vimm.s32 $0xBA98FEDC;
	v61 =	vimm.s32 $0x32107654  }
0x4a: {  	v28 =	vadd.f32 v30, v28;
	v42 =	vimm.s32 $0x76543210;
	vm13 =	vmmov $0x1  }
0x4b: {  	vm14 =	vmmov $0x3;
	vm15 =	vmmov $0x7;
	vm4 =	vmmov $0xf  }
0x4c: {  	vm5 =	vmmov $0x1f;
	vm6 =	vmmov $0x3f;
	vm7 =	vmmov $0x7f  }
0x4d: {  	vm8 =	vmmov $0xff;
	v35 =	vunpack.c.l.s4.s8 v47;
	v36 =	vunpack.c.l.s4.s8 v48  }
0x4e: {  	vm9 =	vmmov $0x1ff;
	vm10 =	vmmov $0x3ff;
	vm11 =	vmmov $0x7ff  }
0x4f: {  	vm12 =	vmmov $0xfff;
	v35 =	vunpack.c.0.s8.s32 v35;
	v36 =	vunpack.c.0.s8.s32 v36  }
0x50: {  	v27 =	vadd.f32 v41, v27;
	v53 =	vunpack.c.l.s4.s8 v51;
	v54 =	vunpack.c.l.s4.s8 v52  }
0x51: {  	v24 =	vadd.f32 v49, v24;
	v29 =	vadd.f32 v50, v29;
	v35 =	vcombine.low v36, v35  }
0x52: {  	v25 =	vadd.f32 v55, v25;
	v56 =	vunpack.c.0.s8.s32 v53;
	v57 =	vunpack.c.0.s8.s32 v54  }
0x53: {  	v38 =	vunpack.c.l.s4.s8 v61;
	v37 =	vadd.f32 v58, v16;
	v14 =	vand.u32 $0xF, v35  }
0x54: {  	v41 =	vimm.s32 $0xFEDCBA98;
	v35 =	vcombine.low v57, v56;
	v59 =	vperm.xlane v33, v14  }
0x55: {  	v36 =	vunpack.c.l.s4.s8 v60;
	v62 =	vperm.xlane v29, v14;
	v44 =	vperm.xlane v26, v14  }
0x56: {  	v38 =	vunpack.c.0.s8.s32 v38;
	v45 =	vperm.xlane v17, v14;
	v50 =	vperm.xlane v28, v14  }
0x57: {  	v36 =	vunpack.c.0.s8.s32 v36;
	v51 =	vperm.xlane v31, v14;
	v56 =	vperm.xlane v34, v14  }
0x58: {  	v57 =	vperm.xlane v20, v14;
	v15 =	vand.u32 $0xF, v35;
	v33 =	vadd.f32 v59, v33  }
0x59: {  	v40 =	vcombine.low v38, v36;
	v29 =	vadd.f32 v62, v29;
	v26 =	vadd.f32 v44, v26  }
0x5a: {  	v36 =	vadd.f32 v45, v17;
	v31 =	vadd.f32 v51, v31;
	v45 =	vperm.xlane v37, v14  }
0x5b: {  	v20 =	vadd.f32 v57, v20;
	v51 =	vperm.xlane v19, v14;
	v57 =	vperm.xlane v18, v14  }
0x5c: {  	v28 =	vadd.f32 v50, v28;
	v35 =	vperm.xlane v33, v15;
	v43 =	vperm.xlane v29, v15  }
0x5d: {  	v34 =	vadd.f32 v56, v34;
	v48 =	vperm.xlane v26, v15;
	v49 =	vperm.xlane v36, v15  }
0x5e: {  	v16 =	vand.u32 $0xF, v40;
	v38 =	vperm.xlane v28, v15;
	v55 =	vperm.xlane v31, v15  }
0x5f: {  	v62 =	vperm.xlane v34, v15;
	v19 =	vadd.f32 v51, v19;
	v18 =	vadd.f32 v57, v18  }
0x60: {  	v63 =	vadd.f32 v35, v33;
	v33 =	vunpack.c.l.s4.s8 v41;
	v29 =	vadd.f32 v43, v29  }
0x61: {  	v35 =	vunpack.c.l.s4.s8 v42;
	v26 =	vadd.f32 v48, v26;
	v28 =	vadd.f32 v38, v28  }
0x62: {  	v31 =	vadd.f32 v55, v31;
	v43 =	vperm.xlane v21, v14;
	v55 =	vperm.xlane v19, v15  }
0x63: {  	v34 =	vadd.f32 v62, v34;
	v38 =	vperm.xlane v13, v14;
	v46 =	vperm.xlane v63, v16  }
0x64: {  	v33 =	vunpack.c.0.s8.s32 v33;
	v47 =	vperm.xlane v29, v16;
	v53 =	vperm.xlane v26, v16  }
0x65: {  	v35 =	vunpack.c.0.s8.s32 v35;
	v60 =	vperm.xlane v28, v16;
	v61 =	vperm.xlane v31, v16  }
0x66: {  	v41 =	vperm.xlane v34, v16;
	v21 =	vadd.f32 v43, v21;
	v19 =	vadd.f32 v55, v19  }
0x67: {  	v13 =	vadd.f32 v38, v13;
	v43 =	vperm.xlane v27, v14;
	v30 =	vadd.f32 v46, v63  }
0x68: {  	v33 =	vand.u32 $0xF, v33;
	v29 =	vadd.f32 v47, v29;
	v26 =	vadd.f32 v53, v26  }
0x69: {  	v63 =	vperm.xlane v20, v15;
	v31 =	vadd.f32 v61, v31;
	v44 =	vadd.f32 v41, v34  }
0x6a: {  	v47 =	vadd.f32 v45, v37;
	v61 =	vperm.xlane v19, v16;
	v41 =	vperm.xlane v13, v15  }
0x6b: {  	v17 =	vcombine.low v33, v35;
	v35 =	vadd.f32 v49, v36;
	v49 =	vperm.xlane v21, v15  }
0x6c: {  	v20 =	vadd.f32 v63, v20;
	v50 =	vperm.xlane v47, v15;
	v63 =	vperm.xlane v18, v15  }
0x6d: {  	v28 =	vadd.f32 v60, v28;
	v39 =	vperm.xlane v30, v17;
	v52 =	vperm.xlane v29, v17  }
0x6e: {  	v19 =	vadd.f32 v61, v19;
	v54 =	vperm.xlane v35, v16;
	v58 =	vperm.xlane v26, v17  }
0x6f: {  	v13 =	vadd.f32 v41, v13;
	v40 =	vperm.xlane v31, v17;
	v46 =	vperm.xlane v44, v17  }
0x70: {  	v21 =	vadd.f32 v49, v21;
	v42 =	vperm.xlane v20, v16;
	v18 =	vadd.f32 v63, v18  }
0x71: {  	v34 =	vperm.xlane v19, v17;
	v45 =	vperm.xlane v13, v16;
	v30 =	vadd.f32 v39, v30  }
0x72: {  	v63 =	vperm.xlane v23, v14;
	v29 =	vadd.f32 v52, v29;
	v33 =	vadd.f32 v54, v35  }
0x73: {  	v26 =	vadd.f32 v58, v26;
	v39 =	vperm.xlane v28, v17;
	v52 =	vperm.xlane v32, v14  }
0x74: {  	v31 =	vadd.f32 v40, v31;
	v53 =	vperm.xlane v21, v16;
	v58 =	vperm.xlane v12, v14  }
0x75: {  	v20 =	vadd.f32 v42, v20;
	v36 =	vperm.xlane v18, v16;
	v19 =	vadd.f32 v34, v19  }
0x76: {  	v13 =	vadd.f32 v45, v13;
	v59 =	vperm.xlane v33, v17;
	v28 =	vadd.f32 v39, v28  }
0x77: {  	v26 =	vsel vm13, v30, v26;
	v30 =	vadd.f32 v50, v47;
	v21 =	vadd.f32 v53, v21  }
0x78: {  	v12 =	vadd.f32 v58, v12;
	v39 =	vperm.xlane v11, v14;
	v50 =	vperm.xlane v10, v14  }
0x79: {  	v48 =	vperm.xlane v20, v17;
	v18 =	vadd.f32 v36, v18;
	v33 =	vadd.f32 v59, v33  }
0x7a: {  	v26 =	vsel vm14, v26, v28;
	v28 =	vadd.f32 v46, v44;
	v54 =	vperm.xlane v30, v16  }
0x7b: {  	v59 =	vperm.xlane v21, v17;
	v11 =	vadd.f32 v39, v11;
	v44 =	vperm.xlane v9, v14  }
0x7c: {  	v46 =	vadd.f32 v43, v27;
	v10 =	vadd.f32 v50, v10;
	v50 =	vperm.xlane v0, v14  }
0x7d: {  	v20 =	vadd.f32 v48, v20;
	v40 =	vperm.xlane v18, v17;
	v48 =	vperm.xlane v8, v14  }
0x7e: {  	v29 =	vsel vm13, v29, v33;
	v26 =	vsel vm15, v26, v28;
	v33 =	vperm.xlane v12, v15  }
0x7f: {  	v21 =	vadd.f32 v59, v21;
	v42 =	vperm.xlane v11, v15;
	v49 =	vperm.xlane v46, v15  }
0x80: {  	v9 =	vadd.f32 v44, v9;
	v27 =	vperm.xlane v10, v15;
	v44 =	vperm.xlane v1, v14  }
0x81: {  	v0 =	vadd.f32 v50, v0;
	v29 =	vsel vm14, v29, v31;
	v31 =	vadd.f32 v52, v32  }
0x82: {  	vm13 =	vmmov $0x1fff;
	v18 =	vadd.f32 v40, v18;
	v8 =	vadd.f32 v48, v8  }
0x83: {  	v52 =	vperm.xlane v13, v17;
	vm14 =	vmmov $0x3fff;
	v20 =	vsel vm15, v29, v20  }
0x84: {  	v29 =	vadd.f32 v54, v30;
	v21 =	vsel vm4, v26, v21;
	v12 =	vadd.f32 v33, v12  }
0x85: {  	v11 =	vadd.f32 v42, v11;
	v51 =	vperm.xlane v9, v15;
	v10 =	vadd.f32 v27, v10  }
0x86: {  	v27 =	vperm.xlane v25, v14;
	v30 =	vperm.xlane v6, v14;
	v1 =	vadd.f32 v44, v1  }
0x87: {  	vm15 =	vmmov $0x7fff;
	v56 =	vperm.xlane v31, v15;
	v19 =	vsel vm5, v21, v19  }
0x88: {  	v54 =	vperm.xlane v8, v15;
	v13 =	vadd.f32 v52, v13;
	v52 =	vperm.xlane v2, v14  }
0x89: {  	v60 =	vperm.xlane v29, v17;
	v37 =	vperm.xlane v12, v16;
	v28 =	vadd.f32 v56, v31  }
0x8a: {  	v18 =	vsel vm6, v19, v18;
	v47 =	vperm.xlane v11, v16;
	v9 =	vadd.f32 v51, v9  }
0x8b: {  	v59 =	vperm.xlane v10, v16;
	v6 =	vadd.f32 v30, v6;
	v62 =	vperm.xlane v28, v16  }
0x8c: {  	v48 =	vperm.xlane v1, v15;
	v51 =	vperm.xlane v5, v14;
	v8 =	vadd.f32 v54, v8  }
0x8d: {  	v13 =	vsel vm7, v18, v13;
	v2 =	vadd.f32 v52, v2;
	v28 =	vadd.f32 v62, v28  }
0x8e: {  	v29 =	vadd.f32 v60, v29;
	v12 =	vadd.f32 v37, v12;
	v56 =	vperm.xlane v9, v16  }
0x8f: {  	v11 =	vadd.f32 v47, v11;
	v60 =	vperm.xlane v7, v14;
	v35 =	vperm.xlane v28, v17  }
0x90: {  	v10 =	vadd.f32 v59, v10;
	v36 =	vperm.xlane v6, v15;
	v26 =	vperm.xlane v12, v17  }
0x91: {  	v47 =	vperm.xlane v3, v14;
	v1 =	vadd.f32 v48, v1;
	v28 =	vadd.f32 v35, v28  }
0x92: {  	v5 =	vadd.f32 v51, v5;
	v20 =	vsel vm4, v20, v29;
	v12 =	vadd.f32 v26, v12  }
0x93: {  	v57 =	vperm.xlane v8, v16;
	v53 =	vperm.xlane v11, v17;
	v20 =	vsel vm5, v20, v28  }
0x94: {  	v9 =	vadd.f32 v56, v9;
	v12 =	vsel vm6, v20, v12;
	v20 =	vadd.f32 v49, v46  }
0x95: {  	v7 =	vadd.f32 v60, v7;
	v29 =	vperm.xlane v22, v14;
	v6 =	vadd.f32 v36, v6  }
0x96: {  	v3 =	vadd.f32 v47, v3;
	v56 =	vperm.xlane v2, v15;
	v55 =	vperm.xlane v20, v16  }
0x97: {  	v8 =	vadd.f32 v57, v8;
	v62 =	vperm.xlane v10, v17;
	v11 =	vadd.f32 v53, v11  }
0x98: {  	v21 =	vperm.xlane v9, v17;
	v40 =	vperm.xlane v6, v16;
	v19 =	vadd.f32 v55, v20  }
0x99: {  	v53 =	vperm.xlane v1, v16;
	v2 =	vadd.f32 v56, v2;
	v61 =	vperm.xlane v8, v17  }
0x9a: {  	v10 =	vadd.f32 v62, v10;
	v9 =	vadd.f32 v21, v9;
	v58 =	vperm.xlane v19, v17  }
0x9b: {  	v21 =	vadd.f32 v63, v23;
	v23 =	vperm.xlane v24, v14;
	v6 =	vadd.f32 v40, v6  }
0x9c: {  	v1 =	vadd.f32 v53, v1;
	v11 =	vsel vm7, v12, v11;
	v12 =	vadd.f32 v58, v19  }
0x9d: {  	v59 =	vperm.xlane v2, v16;
	v8 =	vadd.f32 v61, v8;
	v9 =	vsel vm8, v11, v9  }
0x9e: {  	v11 =	vadd.f32 v23, v24;
	v20 =	vperm.xlane v7, v15;
	v12 =	vsel vm8, v13, v12  }
0x9f: {  	v26 =	vperm.xlane v21, v15;
	v8 =	vsel vm9, v12, v8;
	v12 =	vadd.f32 v27, v25  }
0xa0: {  	v49 =	vperm.xlane v4, v14;
	v31 =	vperm.xlane v11, v15;
	v7 =	vadd.f32 v20, v7  }
0xa1: {  	v9 =	vsel vm9, v9, v10;
	v10 =	vadd.f32 v26, v21;
	v33 =	vperm.xlane v12, v15  }
0xa2: {  	v45 =	vperm.xlane v6, v17;
	v11 =	vadd.f32 v31, v11;
	v28 =	vperm.xlane v7, v16  }
0xa3: {  	v4 =	vadd.f32 v49, v4;
	v32 =	vperm.xlane v10, v16;
	v12 =	vadd.f32 v33, v12  }
0xa4: {  	v2 =	vadd.f32 v59, v2;
	v37 =	vperm.xlane v11, v16;
	v7 =	vadd.f32 v28, v7  }
0xa5: {  	v54 =	vperm.xlane v4, v15;
	v10 =	vadd.f32 v32, v10;
	v21 =	vperm.xlane v12, v16  }
0xa6: {  	v55 =	vperm.xlane v0, v15;
	v11 =	vadd.f32 v37, v11;
	v34 =	vperm.xlane v7, v17  }
0xa7: {  	v19 =	vadd.f32 v29, v22;
	v38 =	vperm.xlane v10, v17;
	v12 =	vadd.f32 v21, v12  }
0xa8: {  	v4 =	vadd.f32 v54, v4;
	v41 =	vperm.xlane v11, v17;
	v7 =	vadd.f32 v34, v7  }
0xa9: {  	v35 =	vperm.xlane v19, v15;
	v10 =	vadd.f32 v38, v10;
	v42 =	vperm.xlane v12, v17  }
0xaa: {  	v7 =	vsel vm10, v8, v7;
	v8 =	vadd.f32 v41, v11;
	v11 =	vperm.xlane v3, v15  }
0xab: {  	v0 =	vadd.f32 v55, v0;
	v9 =	vsel vm10, v9, v10;
	v10 =	vadd.f32 v42, v12  }
0xac: {  	v57 =	vperm.xlane v4, v16;
	v18 =	vadd.f32 v35, v19;
	v3 =	vadd.f32 v11, v3  }
0xad: {  	v58 =	vperm.xlane v0, v16;
	v9 =	vsel vm11, v9, v10;
	v10 =	vperm.xlane v5, v15  }
0xae: {  	v4 =	vadd.f32 v57, v4;
	v39 =	vperm.xlane v18, v16;
	v11 =	vperm.xlane v3, v16  }
0xaf: {  	v63 =	vperm.xlane v2, v17;
	v0 =	vadd.f32 v58, v0;
	v5 =	vadd.f32 v10, v5  }
0xb0: {  	v60 =	vperm.xlane v4, v17;
	v13 =	vadd.f32 v39, v18;
	v3 =	vadd.f32 v11, v3  }
0xb1: {  	v6 =	vadd.f32 v45, v6;
	v61 =	vperm.xlane v0, v17;
	v10 =	vperm.xlane v5, v16  }
0xb2: {  	v2 =	vadd.f32 v63, v2;
	v43 =	vperm.xlane v13, v17;
	v11 =	vperm.xlane v3, v17  }
0xb3: {  	v0 =	vadd.f32 v61, v0;
	v12 =	vperm.xlane v1, v17;
	v5 =	vadd.f32 v10, v5  }
0xb4: {  	v7 =	vsel vm11, v7, v8;
	v46 =	vadd.f32 v43, v13;
	v3 =	vadd.f32 v11, v3  }
0xb5: {  	v1 =	vadd.f32 v12, v1;
	v6 =	vsel vm12, v9, v6;
	v62 =	vperm.xlane v5, v17  }
0xb6: {  	v4 =	vadd.f32 v60, v4;
	v7 =	vsel vm12, v7, v46;
	v3 =	vsel vm13, v6, v3  }
0xb7: {  	v1 =	vsel vm13, v7, v1;
	v0 =	vsel vm14, v3, v0;
	v5 =	vadd.f32 v62, v5  }
0xb8: {  	v1 =	vsel vm14, v1, v4;
	v0 =	vsel vm15, v0, v2  }
0xb9: {  	s3 =	sshll.u32 s1, $0x5;
	s30 =	simm.s32 $0x0;
	[tilespmem:$0x880] =	vst v0;
	v1 =	vsel vm15, v1, v5  }
0xba: {  	s4 =	simm.s32 $0x800;
	s31 =	simm.s32 $0x1;
	s2 =	sadd.s32 s2, s3;
	[tilespmem:$0x800] =	vst v1  }
0xbb: {  	[hbm4b:s2+s30] =	stream.linear.scatter [tilespmem:s4], [sflag:$0x1], $0x100, $0x38;
	[tilespmem:$0x900] =	vst v63  }
0xbc: {  	_ =	swait.ge [sflag:s31], $0x100  }
0xbd: {  	[sflag:s31] =	ssyncset.done $0x0  }
0xbe: {  	[sflag:s31] =	ssyncadd.s32 $0xFFFFFF00  }
0xbf: {  	_ =	sfence.sel $0x180000  }
0xc0: {  	[bflag:$0x0] =	sbarrier.arrive $0xFFFF  }
0xc1: {  	p0 =	sne.s32 s1, $0x0;
	_ =	strace $0x90000047  }
0xc2: {  	s0 =	sadd.s32 @!p0 $0x100000, s0;
	[bflag:$0x2] =	sbarrier.arrive $0xFFFF  }
0xc3: {  	[sflag:s0] =	ssyncadd.tile.s32 @!p0 $0x1;
	_ =	shalt  }
.Lfunc_end2:
_tile_overlayer_lowered:
.L_overlay_start_2:
0xc4: {  	(tag) =	ssettag $0x2  }
0xc5: {  	s0 =	rddreg [dreg:$0x0];
	s2 =	stileid.u32  }
0xc6: {  	s1 =	rddreg [dreg:$0x1];
	p0 =	sne.s32 s2, $0x0  }
0xc7: {  	s3 =	rddreg [dreg:$0x2];
	[bflag:$0x3] =	sbarrier.arrive $0xFFFF;
	s2 =	simm.s32 @!p0 $0x1C01  }
0xc8: {  	[timem:s3], [sflag:s2] =	dma.local @!p0 [hbm:s0], s1  }
0xc9: {  	s0 =	simm.s32 @!p0 $0x1  }
0xca: {  	_ =	swait.ge @!p0 [sflag:s0], s1  }
0xcb: {  	s1 =	ssub.s32 @!p0 $0x0, s1;
	[sflag:s0] =	ssyncset.done @!p0 $0x0  }
0xcc: {  	[sflag:s0] =	ssyncadd.s32 @!p0 s1  }
0xcd: {  	[bflag:$0x3] =	sbarrier.arrive $0xFFFF  }
0xce: {  	_ =	shalt  }

</sc_bundles>
